<compile_context>
chip_gen: v7x
topology: tpu7x:2x2x1
jax: 0.10.2.dev20260603
libtpu: 0.0.44.dev20260713+nightly
codegen_flags: <defaults>
</compile_context>

<pallas_src>
import jax
import jax.numpy as jnp
from jax import lax
from jax.experimental import pallas as pl
from jax.experimental.pallas import tpu as pltpu
from jax.experimental.pallas import tpu_sc as plsc

N_ROWS = 100000
D = 256
DH = 128
N_SEG = 1024
NC = 2
NS = 16
NW = NC * NS
CHUNK = 128
ACC_ROWS = N_SEG + 128
DUMMY = N_SEG
UNITS = N_ROWS // 16
UNITS_LO = UNITS // NW
UNITS_EXTRA = UNITS - UNITS_LO * NW
N_CHUNKS = ((UNITS_LO + 1) * 16 + CHUNK - 1) // CHUNK
ZROWS = ACC_ROWS // NS
STRIPE = N_SEG // NS


def _seg_body(h3_hbm, ids_hbm, sum_out, cnt_out,
              lo_v, hi_v, ids_v, ones_v, zacc_v,
              acc_lo, acc_hi, cnt_s):
  cid = lax.axis_index("c")
  sid = lax.axis_index("s")
  wid = sid * NC + cid

  zeros16 = jnp.zeros((16,), jnp.float32)
  ones16 = jnp.ones((16,), jnp.float32)
  lane = lax.iota(jnp.int32, 16)

  def _zrow(r, carry):
    for c in range(DH // 16):
      zacc_v[r, pl.ds(c * 16, 16)] = zeros16
    return carry

  lax.fori_loop(0, ZROWS, _zrow, 0)

  def _orow(r, carry):
    for c in range(DH // 16):
      ones_v[r, pl.ds(c * 16, 16)] = ones16
    return carry

  lax.fori_loop(0, CHUNK, _orow, 0)

  pltpu.sync_copy(zacc_v, acc_lo.at[pl.ds(sid * ZROWS, ZROWS)])
  pltpu.sync_copy(zacc_v, acc_hi.at[pl.ds(sid * ZROWS, ZROWS)])
  pltpu.sync_copy(zacc_v, cnt_s.at[pl.ds(sid * ZROWS, ZROWS)])
  plsc.subcore_barrier()

  base = (UNITS_LO * wid + jnp.minimum(wid, UNITS_EXTRA)) * 16
  nrows = (UNITS_LO + jnp.where(wid < UNITS_EXTRA, 1, 0)) * 16
  rend = base + nrows

  def _chunk(i, carry):
    start = base + i * CHUNK
    r0 = jnp.minimum(start, N_ROWS - CHUNK)
    pltpu.sync_copy(ids_hbm.at[pl.ds(r0, CHUNK)], ids_v.at[0])
    pltpu.sync_copy(h3_hbm.at[pl.ds(r0, CHUNK), 0], lo_v)
    pltpu.sync_copy(h3_hbm.at[pl.ds(r0, CHUNK), 1], hi_v)
    for g in range(CHUNK // 16):
      pos = r0 + g * 16 + lane
      v = ids_v[0, pl.ds(g * 16, 16)]
      ok = (pos >= start) & (pos < rend)
      ids_v[0, pl.ds(g * 16, 16)] = jnp.where(ok, v, DUMMY)
    pltpu.sync_copy(lo_v, acc_lo.at[ids_v.at[0]], add=True)
    pltpu.sync_copy(hi_v, acc_hi.at[ids_v.at[0]], add=True)
    pltpu.sync_copy(ones_v, cnt_s.at[ids_v.at[0]], add=True)
    return carry

  lax.fori_loop(0, N_CHUNKS, _chunk, 0)
  plsc.subcore_barrier()

  ob = sid * STRIPE
  pltpu.sync_copy(acc_lo.at[pl.ds(ob, STRIPE)],
                  sum_out.at[cid, 0, pl.ds(ob, STRIPE)])
  pltpu.sync_copy(acc_hi.at[pl.ds(ob, STRIPE)],
                  sum_out.at[cid, 1, pl.ds(ob, STRIPE)])
  pltpu.sync_copy(cnt_s.at[pl.ds(ob, STRIPE)],
                  cnt_out.at[cid, pl.ds(ob, STRIPE)])


_seg_call = pl.kernel(
    _seg_body,
    out_type=(
        jax.ShapeDtypeStruct((NC, 2, N_SEG, DH), jnp.float32),
        jax.ShapeDtypeStruct((NC, N_SEG, DH), jnp.float32),
    ),
    mesh=plsc.VectorSubcoreMesh(core_axis_name="c", subcore_axis_name="s",
                                num_cores=NC, num_subcores=NS),
    scratch_types=[
        pltpu.VMEM((CHUNK, DH), jnp.float32),
        pltpu.VMEM((CHUNK, DH), jnp.float32),
        pltpu.VMEM((1, CHUNK), jnp.int32),
        pltpu.VMEM((CHUNK, DH), jnp.float32),
        pltpu.VMEM((ZROWS, DH), jnp.float32),
        pltpu.VMEM_SHARED((ACC_ROWS, DH), jnp.float32),
        pltpu.VMEM_SHARED((ACC_ROWS, DH), jnp.float32),
        pltpu.VMEM_SHARED((ACC_ROWS, DH), jnp.float32),
    ],
)


def _mlp_body(sum_ref, cnt_ref, fcw_ref, fcb_ref, clsw_ref, clsb_ref,
              out_ref):
  s4 = sum_ref[...]
  c3 = cnt_ref[...]
  s = jnp.concatenate([s4[0, 0] + s4[1, 0], s4[0, 1] + s4[1, 1]], axis=1)
  c = c3[0, :, 0:1] + c3[1, :, 0:1]
  feats = s / jnp.maximum(c, 1.0)
  hidden = jnp.dot(feats, fcw_ref[...],
                   preferred_element_type=jnp.float32) + fcb_ref[...]
  hidden = jnp.maximum(hidden, 0.0)
  out_ref[...] = jnp.dot(hidden, clsw_ref[...],
                         preferred_element_type=jnp.float32) + clsb_ref[...]


def kernel(h, graph_ids, fc_w, fc_b, cls_w, cls_b):
  ids = graph_ids.astype(jnp.int32)
  h3 = h.reshape(N_ROWS, 2, DH)

  sums, cnts = _seg_call(h3, ids)

  out = pl.pallas_call(
      _mlp_body,
      out_shape=jax.ShapeDtypeStruct((N_SEG, 16), jnp.float32),
  )(sums, cnts, fc_w, fc_b.reshape(1, -1), cls_w, cls_b.reshape(1, -1))
  return out

# --- scband reference (transcript-rebuilt; emitter-appended) ---
"""Pipeline reference for scband-graph-classifier-18906446037130 (READ-ONLY COPY).

The authoritative reference and input builder live on the scoring server;
editing this copy changes nothing except your own understanding.
"""

import jax, jax.numpy as jnp
import numpy as np

NUM_GRAPHS = 1024

def setup_inputs(seed: int = 0) -> dict:
    key = jax.random.key(seed)
    k1, k2, k3, k4, k5, k6 = jax.random.split(key, 6)
    h = jax.random.normal(k1, (100000, 256), dtype=jnp.float32)
    graph_ids = jnp.sort(jax.random.randint(k2, (100000,), 0, NUM_GRAPHS, dtype=jnp.int64))
    fc_w = jax.random.normal(k3, (256, 512), dtype=jnp.float32) * (1.0 / np.sqrt(256))
    fc_b = jnp.zeros((512,), dtype=jnp.float32)
    cls_w = jax.random.normal(k4, (512, 16), dtype=jnp.float32) * (1.0 / np.sqrt(512))
    cls_b = jnp.zeros((16,), dtype=jnp.float32)
    return {"h": h, "graph_ids": graph_ids, "fc_w": fc_w, "fc_b": fc_b, "cls_w": cls_w, "cls_b": cls_b}

def reference(h, graph_ids, fc_w, fc_b, cls_w, cls_b):
    # dgl.mean_nodes: per-graph mean of node features 'h'
    sums = jax.ops.segment_sum(h, graph_ids, num_segments=NUM_GRAPHS)
    counts = jax.ops.segment_sum(jnp.ones((h.shape[0],), dtype=h.dtype), graph_ids, num_segments=NUM_GRAPHS)
    counts = jnp.maximum(counts, 1.0)
    graph_feats = sums / counts[:, None]
    hidden = jax.nn.relu(graph_feats @ fc_w + fc_b)
    out = hidden @ cls_w + cls_b
    return out

if __name__ == "__main__":
    import jax
    _d = setup_inputs()
    print(jax.jit(kernel)(*tuple(_d.values())))

</pallas_src>

<mosaic_0001>
#map = affine_map<(d0, d1) -> (0, 0, 0)>
#map1 = affine_map<(d0, d1) -> (0)>
#map2 = affine_map<(d0, d1) -> (0, 0, 0, 0)>
module attributes {stable_mosaic.version = 14 : i64} {
  func.func @_seg_body(%arg0: i32, %arg1: i32, %arg2: memref<100000x2x128xf32, #tpu.memory_space<hbm>>, %arg3: memref<100000xi32, #tpu.memory_space<hbm>>, %arg4: memref<2x2x1024x128xf32, #tpu.memory_space<hbm>>, %arg5: memref<2x1024x128xf32, #tpu.memory_space<hbm>>, %arg6: memref<128x128xf32, #tpu.memory_space<vmem>>, %arg7: memref<128x128xf32, #tpu.memory_space<vmem>>, %arg8: memref<1x128xi32, #tpu.memory_space<vmem>>, %arg9: memref<128x128xf32, #tpu.memory_space<vmem>>, %arg10: memref<72x128xf32, #tpu.memory_space<vmem>>, %arg11: memref<1152x128xf32, #tpu.memory_space<vmem_shared>>, %arg12: memref<1152x128xf32, #tpu.memory_space<vmem_shared>>, %arg13: memref<1152x128xf32, #tpu.memory_space<vmem_shared>>) attributes {dimension_semantics = [#tpu.dimension_semantics<core_parallel>, #tpu.dimension_semantics<subcore_parallel>], iteration_bounds = array<i64: 2, 16>, scalar_prefetch = 0 : i64, scratch_operands = 8 : i64, tpu.core_type = #tpu.core_type<sc_vector_subcore>, window_params = [{transform_indices = #map}, {transform_indices = #map1}, {transform_indices = #map2}, {transform_indices = #map}]} {
    %mul3A = arith.constant 2 : i32
    %mul3A_0 = arith.muli %arg1, %mul3A : i32
    %add3A = arith.addi %mul3A_0, %arg0 : i32
    %broadcast_in_dim3A = arith.constant 0.000000e+00 : f32
    %broadcast_in_dim3A_1 = vector.broadcast %broadcast_in_dim3A : f32 to vector<16xf32>
    %broadcast_in_dim3A_2 = arith.constant 1.000000e+00 : f32
    %broadcast_in_dim3A_3 = vector.broadcast %broadcast_in_dim3A_2 : f32 to vector<16xf32>
    %iota3A = tpu.iota {dimensions = array<i32: 0>} : vector<16xi32>
    %scan3A = arith.constant 0 : i32
    %scan3A_4 = arith.constant 0 : i32
    %scan3A_5 = arith.constant 72 : i32
    %scan3A_6 = arith.addi %scan3A_4, %scan3A_5 : i32
    %scan3A_7 = arith.constant 1 : i32
    scf.for %scan3A_44 = %scan3A_4 to %scan3A_6 step %scan3A_7  : i32 {
      %swap3A = arith.index_cast %scan3A_44 : i32 to index
      %swap3A_45 = arith.constant 0 : index
      %swap3A_46 = tpu.vector_load %arg10[%swap3A, %swap3A_45] {strides = array<i32>} : memref<72x128xf32, #tpu.memory_space<vmem>>, vector<1x16xf32>,
      %swap3A_47 = vector.shape_cast %swap3A_46 : vector<1x16xf32> to vector<16xf32>
      %swap3A_48 = vector.shape_cast %broadcast_in_dim3A_1 : vector<16xf32> to vector<1x16xf32>
      tpu.vector_store %arg10[%swap3A, %swap3A_45], %swap3A_48 {strides = array<i32>} : memref<72x128xf32, #tpu.memory_space<vmem>>, vector<1x16xf32>,
      %swap3A_49 = arith.index_cast %scan3A_44 : i32 to index
      %swap3A_50 = arith.constant 16 : index
      %swap3A_51 = tpu.vector_load %arg10[%swap3A_49, %swap3A_50] {strides = array<i32>} : memref<72x128xf32, #tpu.memory_space<vmem>>, vector<1x16xf32>,
      %swap3A_52 = vector.shape_cast %swap3A_51 : vector<1x16xf32> to vector<16xf32>
      %swap3A_53 = vector.shape_cast %broadcast_in_dim3A_1 : vector<16xf32> to vector<1x16xf32>
      tpu.vector_store %arg10[%swap3A_49, %swap3A_50], %swap3A_53 {strides = array<i32>} : memref<72x128xf32, #tpu.memory_space<vmem>>, vector<1x16xf32>,
      %swap3A_54 = arith.index_cast %scan3A_44 : i32 to index
      %swap3A_55 = arith.constant 32 : index
      %swap3A_56 = tpu.vector_load %arg10[%swap3A_54, %swap3A_55] {strides = array<i32>} : memref<72x128xf32, #tpu.memory_space<vmem>>, vector<1x16xf32>,
      %swap3A_57 = vector.shape_cast %swap3A_56 : vector<1x16xf32> to vector<16xf32>
      %swap3A_58 = vector.shape_cast %broadcast_in_dim3A_1 : vector<16xf32> to vector<1x16xf32>
      tpu.vector_store %arg10[%swap3A_54, %swap3A_55], %swap3A_58 {strides = array<i32>} : memref<72x128xf32, #tpu.memory_space<vmem>>, vector<1x16xf32>,
      %swap3A_59 = arith.index_cast %scan3A_44 : i32 to index
      %swap3A_60 = arith.constant 48 : index
      %swap3A_61 = tpu.vector_load %arg10[%swap3A_59, %swap3A_60] {strides = array<i32>} : memref<72x128xf32, #tpu.memory_space<vmem>>, vector<1x16xf32>,
      %swap3A_62 = vector.shape_cast %swap3A_61 : vector<1x16xf32> to vector<16xf32>
      %swap3A_63 = vector.shape_cast %broadcast_in_dim3A_1 : vector<16xf32> to vector<1x16xf32>
      tpu.vector_store %arg10[%swap3A_59, %swap3A_60], %swap3A_63 {strides = array<i32>} : memref<72x128xf32, #tpu.memory_space<vmem>>, vector<1x16xf32>,
      %swap3A_64 = arith.index_cast %scan3A_44 : i32 to index
      %swap3A_65 = arith.constant 64 : index
      %swap3A_66 = tpu.vector_load %arg10[%swap3A_64, %swap3A_65] {strides = array<i32>} : memref<72x128xf32, #tpu.memory_space<vmem>>, vector<1x16xf32>,
      %swap3A_67 = vector.shape_cast %swap3A_66 : vector<1x16xf32> to vector<16xf32>
      %swap3A_68 = vector.shape_cast %broadcast_in_dim3A_1 : vector<16xf32> to vector<1x16xf32>
      tpu.vector_store %arg10[%swap3A_64, %swap3A_65], %swap3A_68 {strides = array<i32>} : memref<72x128xf32, #tpu.memory_space<vmem>>, vector<1x16xf32>,
      %swap3A_69 = arith.index_cast %scan3A_44 : i32 to index
      %swap3A_70 = arith.constant 80 : index
      %swap3A_71 = tpu.vector_load %arg10[%swap3A_69, %swap3A_70] {strides = array<i32>} : memref<72x128xf32, #tpu.memory_space<vmem>>, vector<1x16xf32>,
      %swap3A_72 = vector.shape_cast %swap3A_71 : vector<1x16xf32> to vector<16xf32>
      %swap3A_73 = vector.shape_cast %broadcast_in_dim3A_1 : vector<16xf32> to vector<1x16xf32>
      tpu.vector_store %arg10[%swap3A_69, %swap3A_70], %swap3A_73 {strides = array<i32>} : memref<72x128xf32, #tpu.memory_space<vmem>>, vector<1x16xf32>,
      %swap3A_74 = arith.index_cast %scan3A_44 : i32 to index
      %swap3A_75 = arith.constant 96 : index
      %swap3A_76 = tpu.vector_load %arg10[%swap3A_74, %swap3A_75] {strides = array<i32>} : memref<72x128xf32, #tpu.memory_space<vmem>>, vector<1x16xf32>,
      %swap3A_77 = vector.shape_cast %swap3A_76 : vector<1x16xf32> to vector<16xf32>
      %swap3A_78 = vector.shape_cast %broadcast_in_dim3A_1 : vector<16xf32> to vector<1x16xf32>
      tpu.vector_store %arg10[%swap3A_74, %swap3A_75], %swap3A_78 {strides = array<i32>} : memref<72x128xf32, #tpu.memory_space<vmem>>, vector<1x16xf32>,
      %swap3A_79 = arith.index_cast %scan3A_44 : i32 to index
      %swap3A_80 = arith.constant 112 : index
      %swap3A_81 = tpu.vector_load %arg10[%swap3A_79, %swap3A_80] {strides = array<i32>} : memref<72x128xf32, #tpu.memory_space<vmem>>, vector<1x16xf32>,
      %swap3A_82 = vector.shape_cast %swap3A_81 : vector<1x16xf32> to vector<16xf32>
      %swap3A_83 = vector.shape_cast %broadcast_in_dim3A_1 : vector<16xf32> to vector<1x16xf32>
      tpu.vector_store %arg10[%swap3A_79, %swap3A_80], %swap3A_83 {strides = array<i32>} : memref<72x128xf32, #tpu.memory_space<vmem>>, vector<1x16xf32>,
    }
    %scan3A_8 = arith.constant 72 : i32
    %scan3A_9 = arith.constant 0 : i32
    %scan3A_10 = arith.constant 0 : i32
    %scan3A_11 = arith.constant 128 : i32
    %scan3A_12 = arith.addi %scan3A_10, %scan3A_11 : i32
    %scan3A_13 = arith.constant 1 : i32
    scf.for %scan3A_44 = %scan3A_10 to %scan3A_12 step %scan3A_13  : i32 {
      %swap3A = arith.index_cast %scan3A_44 : i32 to index
      %swap3A_45 = arith.constant 0 : index
      %swap3A_46 = tpu.vector_load %arg9[%swap3A, %swap3A_45] {strides = array<i32>} : memref<128x128xf32, #tpu.memory_space<vmem>>, vector<1x16xf32>,
      %swap3A_47 = vector.shape_cast %swap3A_46 : vector<1x16xf32> to vector<16xf32>
      %swap3A_48 = vector.shape_cast %broadcast_in_dim3A_3 : vector<16xf32> to vector<1x16xf32>
      tpu.vector_store %arg9[%swap3A, %swap3A_45], %swap3A_48 {strides = array<i32>} : memref<128x128xf32, #tpu.memory_space<vmem>>, vector<1x16xf32>,
      %swap3A_49 = arith.index_cast %scan3A_44 : i32 to index
      %swap3A_50 = arith.constant 16 : index
      %swap3A_51 = tpu.vector_load %arg9[%swap3A_49, %swap3A_50] {strides = array<i32>} : memref<128x128xf32, #tpu.memory_space<vmem>>, vector<1x16xf32>,
      %swap3A_52 = vector.shape_cast %swap3A_51 : vector<1x16xf32> to vector<16xf32>
      %swap3A_53 = vector.shape_cast %broadcast_in_dim3A_3 : vector<16xf32> to vector<1x16xf32>
      tpu.vector_store %arg9[%swap3A_49, %swap3A_50], %swap3A_53 {strides = array<i32>} : memref<128x128xf32, #tpu.memory_space<vmem>>, vector<1x16xf32>,
      %swap3A_54 = arith.index_cast %scan3A_44 : i32 to index
      %swap3A_55 = arith.constant 32 : index
      %swap3A_56 = tpu.vector_load %arg9[%swap3A_54, %swap3A_55] {strides = array<i32>} : memref<128x128xf32, #tpu.memory_space<vmem>>, vector<1x16xf32>,
      %swap3A_57 = vector.shape_cast %swap3A_56 : vector<1x16xf32> to vector<16xf32>
      %swap3A_58 = vector.shape_cast %broadcast_in_dim3A_3 : vector<16xf32> to vector<1x16xf32>
      tpu.vector_store %arg9[%swap3A_54, %swap3A_55], %swap3A_58 {strides = array<i32>} : memref<128x128xf32, #tpu.memory_space<vmem>>, vector<1x16xf32>,
      %swap3A_59 = arith.index_cast %scan3A_44 : i32 to index
      %swap3A_60 = arith.constant 48 : index
      %swap3A_61 = tpu.vector_load %arg9[%swap3A_59, %swap3A_60] {strides = array<i32>} : memref<128x128xf32, #tpu.memory_space<vmem>>, vector<1x16xf32>,
      %swap3A_62 = vector.shape_cast %swap3A_61 : vector<1x16xf32> to vector<16xf32>
      %swap3A_63 = vector.shape_cast %broadcast_in_dim3A_3 : vector<16xf32> to vector<1x16xf32>
      tpu.vector_store %arg9[%swap3A_59, %swap3A_60], %swap3A_63 {strides = array<i32>} : memref<128x128xf32, #tpu.memory_space<vmem>>, vector<1x16xf32>,
      %swap3A_64 = arith.index_cast %scan3A_44 : i32 to index
      %swap3A_65 = arith.constant 64 : index
      %swap3A_66 = tpu.vector_load %arg9[%swap3A_64, %swap3A_65] {strides = array<i32>} : memref<128x128xf32, #tpu.memory_space<vmem>>, vector<1x16xf32>,
      %swap3A_67 = vector.shape_cast %swap3A_66 : vector<1x16xf32> to vector<16xf32>
      %swap3A_68 = vector.shape_cast %broadcast_in_dim3A_3 : vector<16xf32> to vector<1x16xf32>
      tpu.vector_store %arg9[%swap3A_64, %swap3A_65], %swap3A_68 {strides = array<i32>} : memref<128x128xf32, #tpu.memory_space<vmem>>, vector<1x16xf32>,
      %swap3A_69 = arith.index_cast %scan3A_44 : i32 to index
      %swap3A_70 = arith.constant 80 : index
      %swap3A_71 = tpu.vector_load %arg9[%swap3A_69, %swap3A_70] {strides = array<i32>} : memref<128x128xf32, #tpu.memory_space<vmem>>, vector<1x16xf32>,
      %swap3A_72 = vector.shape_cast %swap3A_71 : vector<1x16xf32> to vector<16xf32>
      %swap3A_73 = vector.shape_cast %broadcast_in_dim3A_3 : vector<16xf32> to vector<1x16xf32>
      tpu.vector_store %arg9[%swap3A_69, %swap3A_70], %swap3A_73 {strides = array<i32>} : memref<128x128xf32, #tpu.memory_space<vmem>>, vector<1x16xf32>,
      %swap3A_74 = arith.index_cast %scan3A_44 : i32 to index
      %swap3A_75 = arith.constant 96 : index
      %swap3A_76 = tpu.vector_load %arg9[%swap3A_74, %swap3A_75] {strides = array<i32>} : memref<128x128xf32, #tpu.memory_space<vmem>>, vector<1x16xf32>,
      %swap3A_77 = vector.shape_cast %swap3A_76 : vector<1x16xf32> to vector<16xf32>
      %swap3A_78 = vector.shape_cast %broadcast_in_dim3A_3 : vector<16xf32> to vector<1x16xf32>
      tpu.vector_store %arg9[%swap3A_74, %swap3A_75], %swap3A_78 {strides = array<i32>} : memref<128x128xf32, #tpu.memory_space<vmem>>, vector<1x16xf32>,
      %swap3A_79 = arith.index_cast %scan3A_44 : i32 to index
      %swap3A_80 = arith.constant 112 : index
      %swap3A_81 = tpu.vector_load %arg9[%swap3A_79, %swap3A_80] {strides = array<i32>} : memref<128x128xf32, #tpu.memory_space<vmem>>, vector<1x16xf32>,
      %swap3A_82 = vector.shape_cast %swap3A_81 : vector<1x16xf32> to vector<16xf32>
      %swap3A_83 = vector.shape_cast %broadcast_in_dim3A_3 : vector<16xf32> to vector<1x16xf32>
      tpu.vector_store %arg9[%swap3A_79, %swap3A_80], %swap3A_83 {strides = array<i32>} : memref<128x128xf32, #tpu.memory_space<vmem>>, vector<1x16xf32>,
    }
    %scan3A_14 = arith.constant 128 : i32
    %mul3A_15 = arith.constant 72 : i32
    %mul3A_16 = arith.muli %arg1, %mul3A_15 : i32
    "tpu.region"() ({
      %run_scoped3A_44 = tpu.sem_alloc : memref<!tpu.dma_semaphore, #tpu.memory_space<semaphore_mem>>
      %dma_start3A = arith.constant 0 : i32
      %dma_start3A_45 = tpu.memref_slice %arg11[%mul3A_16, %dma_start3A] : memref<1152x128xf32, #tpu.memory_space<vmem_shared>> -> memref<72x128xf32, #tpu.memory_space<vmem_shared>>
      %dma_start3A_46 = arith.constant 0 : i32
      %dma_start3A_47 = tpu.memref_slice %arg11[%mul3A_16, %dma_start3A_46] : memref<1152x128xf32, #tpu.memory_space<vmem_shared>> -> memref<72x128xf32, #tpu.memory_space<vmem_shared>>
      tpu.enqueue_dma source(%arg10 : memref<72x128xf32, #tpu.memory_space<vmem>>) target(%dma_start3A_47 : memref<72x128xf32, #tpu.memory_space<vmem_shared>>) target_semaphore(%run_scoped3A_44 : memref<!tpu.dma_semaphore, #tpu.memory_space<semaphore_mem>>)
      %dma_wait3A = arith.constant 0 : i32
      %dma_wait3A_48 = tpu.memref_slice %arg11[%mul3A_16, %dma_wait3A] : memref<1152x128xf32, #tpu.memory_space<vmem_shared>> -> memref<72x128xf32, #tpu.memory_space<vmem_shared>>
      %dma_wait3A_49 = arith.constant 0 : i32
      %dma_wait3A_50 = tpu.memref_slice %arg11[%mul3A_16, %dma_wait3A_49] : memref<1152x128xf32, #tpu.memory_space<vmem_shared>> -> memref<72x128xf32, #tpu.memory_space<vmem_shared>>
      tpu.wait_dma2 semaphore(%run_scoped3A_44 : memref<!tpu.dma_semaphore, #tpu.memory_space<semaphore_mem>>) src(%arg10 : memref<72x128xf32, #tpu.memory_space<vmem>>) dst(%dma_wait3A_50 : memref<72x128xf32, #tpu.memory_space<vmem_shared>>)
      tpu.yield
    }) : () -> ()
    %mul3A_17 = arith.constant 72 : i32
    %mul3A_18 = arith.muli %arg1, %mul3A_17 : i32
    "tpu.region"() ({
      %run_scoped3A_44 = tpu.sem_alloc : memref<!tpu.dma_semaphore, #tpu.memory_space<semaphore_mem>>
      %dma_start3A = arith.constant 0 : i32
      %dma_start3A_45 = tpu.memref_slice %arg12[%mul3A_18, %dma_start3A] : memref<1152x128xf32, #tpu.memory_space<vmem_shared>> -> memref<72x128xf32, #tpu.memory_space<vmem_shared>>
      %dma_start3A_46 = arith.constant 0 : i32
      %dma_start3A_47 = tpu.memref_slice %arg12[%mul3A_18, %dma_start3A_46] : memref<1152x128xf32, #tpu.memory_space<vmem_shared>> -> memref<72x128xf32, #tpu.memory_space<vmem_shared>>
      tpu.enqueue_dma source(%arg10 : memref<72x128xf32, #tpu.memory_space<vmem>>) target(%dma_start3A_47 : memref<72x128xf32, #tpu.memory_space<vmem_shared>>) target_semaphore(%run_scoped3A_44 : memref<!tpu.dma_semaphore, #tpu.memory_space<semaphore_mem>>)
      %dma_wait3A = arith.constant 0 : i32
      %dma_wait3A_48 = tpu.memref_slice %arg12[%mul3A_18, %dma_wait3A] : memref<1152x128xf32, #tpu.memory_space<vmem_shared>> -> memref<72x128xf32, #tpu.memory_space<vmem_shared>>
      %dma_wait3A_49 = arith.constant 0 : i32
      %dma_wait3A_50 = tpu.memref_slice %arg12[%mul3A_18, %dma_wait3A_49] : memref<1152x128xf32, #tpu.memory_space<vmem_shared>> -> memref<72x128xf32, #tpu.memory_space<vmem_shared>>
      tpu.wait_dma2 semaphore(%run_scoped3A_44 : memref<!tpu.dma_semaphore, #tpu.memory_space<semaphore_mem>>) src(%arg10 : memref<72x128xf32, #tpu.memory_space<vmem>>) dst(%dma_wait3A_50 : memref<72x128xf32, #tpu.memory_space<vmem_shared>>)
      tpu.yield
    }) : () -> ()
    %mul3A_19 = arith.constant 72 : i32
    %mul3A_20 = arith.muli %arg1, %mul3A_19 : i32
    "tpu.region"() ({
      %run_scoped3A_44 = tpu.sem_alloc : memref<!tpu.dma_semaphore, #tpu.memory_space<semaphore_mem>>
      %dma_start3A = arith.constant 0 : i32
      %dma_start3A_45 = tpu.memref_slice %arg13[%mul3A_20, %dma_start3A] : memref<1152x128xf32, #tpu.memory_space<vmem_shared>> -> memref<72x128xf32, #tpu.memory_space<vmem_shared>>
      %dma_start3A_46 = arith.constant 0 : i32
      %dma_start3A_47 = tpu.memref_slice %arg13[%mul3A_20, %dma_start3A_46] : memref<1152x128xf32, #tpu.memory_space<vmem_shared>> -> memref<72x128xf32, #tpu.memory_space<vmem_shared>>
      tpu.enqueue_dma source(%arg10 : memref<72x128xf32, #tpu.memory_space<vmem>>) target(%dma_start3A_47 : memref<72x128xf32, #tpu.memory_space<vmem_shared>>) target_semaphore(%run_scoped3A_44 : memref<!tpu.dma_semaphore, #tpu.memory_space<semaphore_mem>>)
      %dma_wait3A = arith.constant 0 : i32
      %dma_wait3A_48 = tpu.memref_slice %arg13[%mul3A_20, %dma_wait3A] : memref<1152x128xf32, #tpu.memory_space<vmem_shared>> -> memref<72x128xf32, #tpu.memory_space<vmem_shared>>
      %dma_wait3A_49 = arith.constant 0 : i32
      %dma_wait3A_50 = tpu.memref_slice %arg13[%mul3A_20, %dma_wait3A_49] : memref<1152x128xf32, #tpu.memory_space<vmem_shared>> -> memref<72x128xf32, #tpu.memory_space<vmem_shared>>
      tpu.wait_dma2 semaphore(%run_scoped3A_44 : memref<!tpu.dma_semaphore, #tpu.memory_space<semaphore_mem>>) src(%arg10 : memref<72x128xf32, #tpu.memory_space<vmem>>) dst(%dma_wait3A_50 : memref<72x128xf32, #tpu.memory_space<vmem_shared>>)
      tpu.yield
    }) : () -> ()
    %barrier3A = arith.constant 0 : index
    tpu.barrier barrier_id(%barrier3A)
    %mul3A_21 = arith.constant 195 : i32
    %mul3A_22 = arith.muli %mul3A_21, %add3A : i32
    %min3A = arith.constant 10 : i32
    %min3A_23 = arith.minsi %add3A, %min3A : i32
    %add3A_24 = arith.addi %mul3A_22, %min3A_23 : i32
    %mul3A_25 = arith.constant 16 : i32
    %mul3A_26 = arith.muli %add3A_24, %mul3A_25 : i32
    %lt3A = arith.constant 10 : i32
    %lt3A_27 = arith.cmpi slt, %add3A, %lt3A : i32
    %jit3A = arith.constant 1 : i32
    %jit3A_28 = arith.constant 0 : i32
    %select_n3A = arith.select %lt3A_27, %jit3A, %jit3A_28 : i32
    %add3A_29 = arith.constant 195 : i32
    %add3A_30 = arith.addi %add3A_29, %select_n3A : i32
    %mul3A_31 = arith.constant 16 : i32
    %mul3A_32 = arith.muli %add3A_30, %mul3A_31 : i32
    %add3A_33 = arith.addi %mul3A_26, %mul3A_32 : i32
    %scan3A_34 = arith.constant 0 : i32
    %scan3A_35 = arith.constant 0 : i32
    %scan3A_36 = arith.constant 25 : i32
    %scan3A_37 = arith.addi %scan3A_35, %scan3A_36 : i32
    %scan3A_38 = arith.constant 1 : i32
    scf.for %scan3A_44 = %scan3A_35 to %scan3A_37 step %scan3A_38  : i32 {
      %mul3A_45 = arith.constant 128 : i32
      %mul3A_46 = arith.muli %scan3A_44, %mul3A_45 : i32
      %add3A_47 = arith.addi %mul3A_26, %mul3A_46 : i32
      %min3A_48 = arith.constant 99872 : i32
      %min3A_49 = arith.minsi %add3A_47, %min3A_48 : i32
      %run_scoped3A_50 = arith.constant 0 : i32
      "tpu.region"() ({
        %run_scoped3A_236 = tpu.sem_alloc : memref<!tpu.dma_semaphore, #tpu.memory_space<semaphore_mem>>
        %dma_start3A = arith.constant 0 : i32
        %dma_start3A_237 = tpu.memref_slice %arg8[%run_scoped3A_50, %dma_start3A] : memref<1x128xi32, #tpu.memory_space<vmem>> -> memref<1x128xi32, #tpu.memory_space<vmem>>
        %dma_start3A_238 = tpu.memref_squeeze %dma_start3A_237 : memref<1x128xi32, #tpu.memory_space<vmem>> -> memref<128xi32, #tpu.memory_space<vmem>>
        %dma_start3A_239 = tpu.memref_slice %arg3[%min3A_49] : memref<100000xi32, #tpu.memory_space<hbm>> -> memref<128xi32, #tpu.memory_space<hbm>>
        %dma_start3A_240 = arith.constant 0 : i32
        %dma_start3A_241 = tpu.memref_slice %arg8[%run_scoped3A_50, %dma_start3A_240] : memref<1x128xi32, #tpu.memory_space<vmem>> -> memref<1x128xi32, #tpu.memory_space<vmem>>
        %dma_start3A_242 = tpu.memref_squeeze %dma_start3A_241 : memref<1x128xi32, #tpu.memory_space<vmem>> -> memref<128xi32, #tpu.memory_space<vmem>>
        %dma_start3A_243 = tpu.memref_slice %arg3[%min3A_49] : memref<100000xi32, #tpu.memory_space<hbm>> -> memref<128xi32, #tpu.memory_space<hbm>>
        tpu.enqueue_dma source(%dma_start3A_243 : memref<128xi32, #tpu.memory_space<hbm>>) target(%dma_start3A_242 : memref<128xi32, #tpu.memory_space<vmem>>) target_semaphore(%run_scoped3A_236 : memref<!tpu.dma_semaphore, #tpu.memory_space<semaphore_mem>>)
        %dma_wait3A = arith.constant 0 : i32
        %dma_wait3A_244 = tpu.memref_slice %arg8[%run_scoped3A_50, %dma_wait3A] : memref<1x128xi32, #tpu.memory_space<vmem>> -> memref<1x128xi32, #tpu.memory_space<vmem>>
        %dma_wait3A_245 = tpu.memref_squeeze %dma_wait3A_244 : memref<1x128xi32, #tpu.memory_space<vmem>> -> memref<128xi32, #tpu.memory_space<vmem>>
        %dma_wait3A_246 = tpu.memref_slice %arg3[%min3A_49] : memref<100000xi32, #tpu.memory_space<hbm>> -> memref<128xi32, #tpu.memory_space<hbm>>
        %dma_wait3A_247 = arith.constant 0 : i32
        %dma_wait3A_248 = tpu.memref_slice %arg8[%run_scoped3A_50, %dma_wait3A_247] : memref<1x128xi32, #tpu.memory_space<vmem>> -> memref<1x128xi32, #tpu.memory_space<vmem>>
        %dma_wait3A_249 = tpu.memref_squeeze %dma_wait3A_248 : memref<1x128xi32, #tpu.memory_space<vmem>> -> memref<128xi32, #tpu.memory_space<vmem>>
        %dma_wait3A_250 = tpu.memref_slice %arg3[%min3A_49] : memref<100000xi32, #tpu.memory_space<hbm>> -> memref<128xi32, #tpu.memory_space<hbm>>
        tpu.wait_dma2 semaphore(%run_scoped3A_236 : memref<!tpu.dma_semaphore, #tpu.memory_space<semaphore_mem>>) src(%dma_wait3A_250 : memref<128xi32, #tpu.memory_space<hbm>>) dst(%dma_wait3A_249 : memref<128xi32, #tpu.memory_space<vmem>>)
        tpu.yield
      }) : () -> ()
      %run_scoped3A_51 = arith.constant 0 : i32
      "tpu.region"() ({
        %run_scoped3A_236 = tpu.sem_alloc : memref<!tpu.dma_semaphore, #tpu.memory_space<semaphore_mem>>
        %dma_start3A = arith.constant 0 : i32
        %dma_start3A_237 = tpu.memref_slice %arg2[%min3A_49, %run_scoped3A_51, %dma_start3A] : memref<100000x2x128xf32, #tpu.memory_space<hbm>> -> memref<128x1x128xf32, #tpu.memory_space<hbm>>
        %dma_start3A_238 = tpu.memref_squeeze %dma_start3A_237 : memref<128x1x128xf32, #tpu.memory_space<hbm>> -> memref<128x128xf32, #tpu.memory_space<hbm>>
        %dma_start3A_239 = arith.constant 0 : i32
        %dma_start3A_240 = tpu.memref_slice %arg2[%min3A_49, %run_scoped3A_51, %dma_start3A_239] : memref<100000x2x128xf32, #tpu.memory_space<hbm>> -> memref<128x1x128xf32, #tpu.memory_space<hbm>>
        %dma_start3A_241 = tpu.memref_squeeze %dma_start3A_240 : memref<128x1x128xf32, #tpu.memory_space<hbm>> -> memref<128x128xf32, #tpu.memory_space<hbm>>
        tpu.enqueue_dma source(%dma_start3A_241 : memref<128x128xf32, #tpu.memory_space<hbm>>) target(%arg6 : memref<128x128xf32, #tpu.memory_space<vmem>>) target_semaphore(%run_scoped3A_236 : memref<!tpu.dma_semaphore, #tpu.memory_space<semaphore_mem>>)
        %dma_wait3A = arith.constant 0 : i32
        %dma_wait3A_242 = tpu.memref_slice %arg2[%min3A_49, %run_scoped3A_51, %dma_wait3A] : memref<100000x2x128xf32, #tpu.memory_space<hbm>> -> memref<128x1x128xf32, #tpu.memory_space<hbm>>
        %dma_wait3A_243 = tpu.memref_squeeze %dma_wait3A_242 : memref<128x1x128xf32, #tpu.memory_space<hbm>> -> memref<128x128xf32, #tpu.memory_space<hbm>>
        %dma_wait3A_244 = arith.constant 0 : i32
        %dma_wait3A_245 = tpu.memref_slice %arg2[%min3A_49, %run_scoped3A_51, %dma_wait3A_244] : memref<100000x2x128xf32, #tpu.memory_space<hbm>> -> memref<128x1x128xf32, #tpu.memory_space<hbm>>
        %dma_wait3A_246 = tpu.memref_squeeze %dma_wait3A_245 : memref<128x1x128xf32, #tpu.memory_space<hbm>> -> memref<128x128xf32, #tpu.memory_space<hbm>>
        tpu.wait_dma2 semaphore(%run_scoped3A_236 : memref<!tpu.dma_semaphore, #tpu.memory_space<semaphore_mem>>) src(%dma_wait3A_246 : memref<128x128xf32, #tpu.memory_space<hbm>>) dst(%arg6 : memref<128x128xf32, #tpu.memory_space<vmem>>)
        tpu.yield
      }) : () -> ()
      %run_scoped3A_52 = arith.constant 1 : i32
      "tpu.region"() ({
        %run_scoped3A_236 = tpu.sem_alloc : memref<!tpu.dma_semaphore, #tpu.memory_space<semaphore_mem>>
        %dma_start3A = arith.constant 0 : i32
        %dma_start3A_237 = tpu.memref_slice %arg2[%min3A_49, %run_scoped3A_52, %dma_start3A] : memref<100000x2x128xf32, #tpu.memory_space<hbm>> -> memref<128x1x128xf32, #tpu.memory_space<hbm>>
        %dma_start3A_238 = tpu.memref_squeeze %dma_start3A_237 : memref<128x1x128xf32, #tpu.memory_space<hbm>> -> memref<128x128xf32, #tpu.memory_space<hbm>>
        %dma_start3A_239 = arith.constant 0 : i32
        %dma_start3A_240 = tpu.memref_slice %arg2[%min3A_49, %run_scoped3A_52, %dma_start3A_239] : memref<100000x2x128xf32, #tpu.memory_space<hbm>> -> memref<128x1x128xf32, #tpu.memory_space<hbm>>
        %dma_start3A_241 = tpu.memref_squeeze %dma_start3A_240 : memref<128x1x128xf32, #tpu.memory_space<hbm>> -> memref<128x128xf32, #tpu.memory_space<hbm>>
        tpu.enqueue_dma source(%dma_start3A_241 : memref<128x128xf32, #tpu.memory_space<hbm>>) target(%arg7 : memref<128x128xf32, #tpu.memory_space<vmem>>) target_semaphore(%run_scoped3A_236 : memref<!tpu.dma_semaphore, #tpu.memory_space<semaphore_mem>>)
        %dma_wait3A = arith.constant 0 : i32
        %dma_wait3A_242 = tpu.memref_slice %arg2[%min3A_49, %run_scoped3A_52, %dma_wait3A] : memref<100000x2x128xf32, #tpu.memory_space<hbm>> -> memref<128x1x128xf32, #tpu.memory_space<hbm>>
        %dma_wait3A_243 = tpu.memref_squeeze %dma_wait3A_242 : memref<128x1x128xf32, #tpu.memory_space<hbm>> -> memref<128x128xf32, #tpu.memory_space<hbm>>
        %dma_wait3A_244 = arith.constant 0 : i32
        %dma_wait3A_245 = tpu.memref_slice %arg2[%min3A_49, %run_scoped3A_52, %dma_wait3A_244] : memref<100000x2x128xf32, #tpu.memory_space<hbm>> -> memref<128x1x128xf32, #tpu.memory_space<hbm>>
        %dma_wait3A_246 = tpu.memref_squeeze %dma_wait3A_245 : memref<128x1x128xf32, #tpu.memory_space<hbm>> -> memref<128x128xf32, #tpu.memory_space<hbm>>
        tpu.wait_dma2 semaphore(%run_scoped3A_236 : memref<!tpu.dma_semaphore, #tpu.memory_space<semaphore_mem>>) src(%dma_wait3A_246 : memref<128x128xf32, #tpu.memory_space<hbm>>) dst(%arg7 : memref<128x128xf32, #tpu.memory_space<vmem>>)
        tpu.yield
      }) : () -> ()
      %add3A_53 = arith.constant 0 : i32
      %add3A_54 = arith.addi %min3A_49, %add3A_53 : i32
      %add3A_55 = vector.broadcast %add3A_54 : i32 to vector<16xi32>
      %add3A_56 = arith.addi %add3A_55, %iota3A : vector<16xi32>
      %get3A = arith.constant 0 : i32
      %get3A_57 = arith.index_cast %get3A : i32 to index
      %get3A_58 = arith.constant 0 : index
      %get3A_59 = tpu.vector_load %arg8[%get3A_57, %get3A_58] {strides = array<i32>} : memref<1x128xi32, #tpu.memory_space<vmem>>, vector<1x16xi32>,
      %get3A_60 = vector.shape_cast %get3A_59 : vector<1x16xi32> to vector<16xi32>
      %ge3A = vector.broadcast %add3A_47 : i32 to vector<16xi32>
      %ge3A_61 = arith.cmpi sge, %add3A_56, %ge3A : vector<16xi32>
      %lt3A_62 = vector.broadcast %add3A_33 : i32 to vector<16xi32>
      %lt3A_63 = arith.cmpi slt, %add3A_56, %lt3A_62 : vector<16xi32>
      %and3A = arith.andi %ge3A_61, %lt3A_63 : vector<16xi1>
      %jit3A_64 = arith.constant 1024 : i32
      %broadcast_in_dim3A_65 = vector.broadcast %jit3A_64 : i32 to vector<16xi32>
      %select_n3A_66 = arith.select %and3A, %get3A_60, %broadcast_in_dim3A_65 : vector<16xi1>, vector<16xi32>
      %swap3A = arith.constant 0 : i32
      %swap3A_67 = arith.index_cast %swap3A : i32 to index
      %swap3A_68 = arith.constant 0 : index
      %swap3A_69 = tpu.vector_load %arg8[%swap3A_67, %swap3A_68] {strides = array<i32>} : memref<1x128xi32, #tpu.memory_space<vmem>>, vector<1x16xi32>,
      %swap3A_70 = vector.shape_cast %swap3A_69 : vector<1x16xi32> to vector<16xi32>
      %swap3A_71 = vector.shape_cast %select_n3A_66 : vector<16xi32> to vector<1x16xi32>
      tpu.vector_store %arg8[%swap3A_67, %swap3A_68], %swap3A_71 {strides = array<i32>} : memref<1x128xi32, #tpu.memory_space<vmem>>, vector<1x16xi32>,
      %add3A_72 = arith.constant 16 : i32
      %add3A_73 = arith.addi %min3A_49, %add3A_72 : i32
      %add3A_74 = vector.broadcast %add3A_73 : i32 to vector<16xi32>
      %add3A_75 = arith.addi %add3A_74, %iota3A : vector<16xi32>
      %get3A_76 = arith.constant 0 : i32
      %get3A_77 = arith.index_cast %get3A_76 : i32 to index
      %get3A_78 = arith.constant 16 : index
      %get3A_79 = tpu.vector_load %arg8[%get3A_77, %get3A_78] {strides = array<i32>} : memref<1x128xi32, #tpu.memory_space<vmem>>, vector<1x16xi32>,
      %get3A_80 = vector.shape_cast %get3A_79 : vector<1x16xi32> to vector<16xi32>
      %ge3A_81 = vector.broadcast %add3A_47 : i32 to vector<16xi32>
      %ge3A_82 = arith.cmpi sge, %add3A_75, %ge3A_81 : vector<16xi32>
      %lt3A_83 = vector.broadcast %add3A_33 : i32 to vector<16xi32>
      %lt3A_84 = arith.cmpi slt, %add3A_75, %lt3A_83 : vector<16xi32>
      %and3A_85 = arith.andi %ge3A_82, %lt3A_84 : vector<16xi1>
      %jit3A_86 = arith.constant 1024 : i32
      %broadcast_in_dim3A_87 = vector.broadcast %jit3A_86 : i32 to vector<16xi32>
      %select_n3A_88 = arith.select %and3A_85, %get3A_80, %broadcast_in_dim3A_87 : vector<16xi1>, vector<16xi32>
      %swap3A_89 = arith.constant 0 : i32
      %swap3A_90 = arith.index_cast %swap3A_89 : i32 to index
      %swap3A_91 = arith.constant 16 : index
      %swap3A_92 = tpu.vector_load %arg8[%swap3A_90, %swap3A_91] {strides = array<i32>} : memref<1x128xi32, #tpu.memory_space<vmem>>, vector<1x16xi32>,
      %swap3A_93 = vector.shape_cast %swap3A_92 : vector<1x16xi32> to vector<16xi32>
      %swap3A_94 = vector.shape_cast %select_n3A_88 : vector<16xi32> to vector<1x16xi32>
      tpu.vector_store %arg8[%swap3A_90, %swap3A_91], %swap3A_94 {strides = array<i32>} : memref<1x128xi32, #tpu.memory_space<vmem>>, vector<1x16xi32>,
      %add3A_95 = arith.constant 32 : i32
      %add3A_96 = arith.addi %min3A_49, %add3A_95 : i32
      %add3A_97 = vector.broadcast %add3A_96 : i32 to vector<16xi32>
      %add3A_98 = arith.addi %add3A_97, %iota3A : vector<16xi32>
      %get3A_99 = arith.constant 0 : i32
      %get3A_100 = arith.index_cast %get3A_99 : i32 to index
      %get3A_101 = arith.constant 32 : index
      %get3A_102 = tpu.vector_load %arg8[%get3A_100, %get3A_101] {strides = array<i32>} : memref<1x128xi32, #tpu.memory_space<vmem>>, vector<1x16xi32>,
      %get3A_103 = vector.shape_cast %get3A_102 : vector<1x16xi32> to vector<16xi32>
      %ge3A_104 = vector.broadcast %add3A_47 : i32 to vector<16xi32>
      %ge3A_105 = arith.cmpi sge, %add3A_98, %ge3A_104 : vector<16xi32>
      %lt3A_106 = vector.broadcast %add3A_33 : i32 to vector<16xi32>
      %lt3A_107 = arith.cmpi slt, %add3A_98, %lt3A_106 : vector<16xi32>
      %and3A_108 = arith.andi %ge3A_105, %lt3A_107 : vector<16xi1>
      %jit3A_109 = arith.constant 1024 : i32
      %broadcast_in_dim3A_110 = vector.broadcast %jit3A_109 : i32 to vector<16xi32>
      %select_n3A_111 = arith.select %and3A_108, %get3A_103, %broadcast_in_dim3A_110 : vector<16xi1>, vector<16xi32>
      %swap3A_112 = arith.constant 0 : i32
      %swap3A_113 = arith.index_cast %swap3A_112 : i32 to index
      %swap3A_114 = arith.constant 32 : index
      %swap3A_115 = tpu.vector_load %arg8[%swap3A_113, %swap3A_114] {strides = array<i32>} : memref<1x128xi32, #tpu.memory_space<vmem>>, vector<1x16xi32>,
      %swap3A_116 = vector.shape_cast %swap3A_115 : vector<1x16xi32> to vector<16xi32>
      %swap3A_117 = vector.shape_cast %select_n3A_111 : vector<16xi32> to vector<1x16xi32>
      tpu.vector_store %arg8[%swap3A_113, %swap3A_114], %swap3A_117 {strides = array<i32>} : memref<1x128xi32, #tpu.memory_space<vmem>>, vector<1x16xi32>,
      %add3A_118 = arith.constant 48 : i32
      %add3A_119 = arith.addi %min3A_49, %add3A_118 : i32
      %add3A_120 = vector.broadcast %add3A_119 : i32 to vector<16xi32>
      %add3A_121 = arith.addi %add3A_120, %iota3A : vector<16xi32>
      %get3A_122 = arith.constant 0 : i32
      %get3A_123 = arith.index_cast %get3A_122 : i32 to index
      %get3A_124 = arith.constant 48 : index
      %get3A_125 = tpu.vector_load %arg8[%get3A_123, %get3A_124] {strides = array<i32>} : memref<1x128xi32, #tpu.memory_space<vmem>>, vector<1x16xi32>,
      %get3A_126 = vector.shape_cast %get3A_125 : vector<1x16xi32> to vector<16xi32>
      %ge3A_127 = vector.broadcast %add3A_47 : i32 to vector<16xi32>
      %ge3A_128 = arith.cmpi sge, %add3A_121, %ge3A_127 : vector<16xi32>
      %lt3A_129 = vector.broadcast %add3A_33 : i32 to vector<16xi32>
      %lt3A_130 = arith.cmpi slt, %add3A_121, %lt3A_129 : vector<16xi32>
      %and3A_131 = arith.andi %ge3A_128, %lt3A_130 : vector<16xi1>
      %jit3A_132 = arith.constant 1024 : i32
      %broadcast_in_dim3A_133 = vector.broadcast %jit3A_132 : i32 to vector<16xi32>
      %select_n3A_134 = arith.select %and3A_131, %get3A_126, %broadcast_in_dim3A_133 : vector<16xi1>, vector<16xi32>
      %swap3A_135 = arith.constant 0 : i32
      %swap3A_136 = arith.index_cast %swap3A_135 : i32 to index
      %swap3A_137 = arith.constant 48 : index
      %swap3A_138 = tpu.vector_load %arg8[%swap3A_136, %swap3A_137] {strides = array<i32>} : memref<1x128xi32, #tpu.memory_space<vmem>>, vector<1x16xi32>,
      %swap3A_139 = vector.shape_cast %swap3A_138 : vector<1x16xi32> to vector<16xi32>
      %swap3A_140 = vector.shape_cast %select_n3A_134 : vector<16xi32> to vector<1x16xi32>
      tpu.vector_store %arg8[%swap3A_136, %swap3A_137], %swap3A_140 {strides = array<i32>} : memref<1x128xi32, #tpu.memory_space<vmem>>, vector<1x16xi32>,
      %add3A_141 = arith.constant 64 : i32
      %add3A_142 = arith.addi %min3A_49, %add3A_141 : i32
      %add3A_143 = vector.broadcast %add3A_142 : i32 to vector<16xi32>
      %add3A_144 = arith.addi %add3A_143, %iota3A : vector<16xi32>
      %get3A_145 = arith.constant 0 : i32
      %get3A_146 = arith.index_cast %get3A_145 : i32 to index
      %get3A_147 = arith.constant 64 : index
      %get3A_148 = tpu.vector_load %arg8[%get3A_146, %get3A_147] {strides = array<i32>} : memref<1x128xi32, #tpu.memory_space<vmem>>, vector<1x16xi32>,
      %get3A_149 = vector.shape_cast %get3A_148 : vector<1x16xi32> to vector<16xi32>
      %ge3A_150 = vector.broadcast %add3A_47 : i32 to vector<16xi32>
      %ge3A_151 = arith.cmpi sge, %add3A_144, %ge3A_150 : vector<16xi32>
      %lt3A_152 = vector.broadcast %add3A_33 : i32 to vector<16xi32>
      %lt3A_153 = arith.cmpi slt, %add3A_144, %lt3A_152 : vector<16xi32>
      %and3A_154 = arith.andi %ge3A_151, %lt3A_153 : vector<16xi1>
      %jit3A_155 = arith.constant 1024 : i32
      %broadcast_in_dim3A_156 = vector.broadcast %jit3A_155 : i32 to vector<16xi32>
      %select_n3A_157 = arith.select %and3A_154, %get3A_149, %broadcast_in_dim3A_156 : vector<16xi1>, vector<16xi32>
      %swap3A_158 = arith.constant 0 : i32
      %swap3A_159 = arith.index_cast %swap3A_158 : i32 to index
      %swap3A_160 = arith.constant 64 : index
      %swap3A_161 = tpu.vector_load %arg8[%swap3A_159, %swap3A_160] {strides = array<i32>} : memref<1x128xi32, #tpu.memory_space<vmem>>, vector<1x16xi32>,
      %swap3A_162 = vector.shape_cast %swap3A_161 : vector<1x16xi32> to vector<16xi32>
      %swap3A_163 = vector.shape_cast %select_n3A_157 : vector<16xi32> to vector<1x16xi32>
      tpu.vector_store %arg8[%swap3A_159, %swap3A_160], %swap3A_163 {strides = array<i32>} : memref<1x128xi32, #tpu.memory_space<vmem>>, vector<1x16xi32>,
      %add3A_164 = arith.constant 80 : i32
      %add3A_165 = arith.addi %min3A_49, %add3A_164 : i32
      %add3A_166 = vector.broadcast %add3A_165 : i32 to vector<16xi32>
      %add3A_167 = arith.addi %add3A_166, %iota3A : vector<16xi32>
      %get3A_168 = arith.constant 0 : i32
      %get3A_169 = arith.index_cast %get3A_168 : i32 to index
      %get3A_170 = arith.constant 80 : index
      %get3A_171 = tpu.vector_load %arg8[%get3A_169, %get3A_170] {strides = array<i32>} : memref<1x128xi32, #tpu.memory_space<vmem>>, vector<1x16xi32>,
      %get3A_172 = vector.shape_cast %get3A_171 : vector<1x16xi32> to vector<16xi32>
      %ge3A_173 = vector.broadcast %add3A_47 : i32 to vector<16xi32>
      %ge3A_174 = arith.cmpi sge, %add3A_167, %ge3A_173 : vector<16xi32>
      %lt3A_175 = vector.broadcast %add3A_33 : i32 to vector<16xi32>
      %lt3A_176 = arith.cmpi slt, %add3A_167, %lt3A_175 : vector<16xi32>
      %and3A_177 = arith.andi %ge3A_174, %lt3A_176 : vector<16xi1>
      %jit3A_178 = arith.constant 1024 : i32
      %broadcast_in_dim3A_179 = vector.broadcast %jit3A_178 : i32 to vector<16xi32>
      %select_n3A_180 = arith.select %and3A_177, %get3A_172, %broadcast_in_dim3A_179 : vector<16xi1>, vector<16xi32>
      %swap3A_181 = arith.constant 0 : i32
      %swap3A_182 = arith.index_cast %swap3A_181 : i32 to index
      %swap3A_183 = arith.constant 80 : index
      %swap3A_184 = tpu.vector_load %arg8[%swap3A_182, %swap3A_183] {strides = array<i32>} : memref<1x128xi32, #tpu.memory_space<vmem>>, vector<1x16xi32>,
      %swap3A_185 = vector.shape_cast %swap3A_184 : vector<1x16xi32> to vector<16xi32>
      %swap3A_186 = vector.shape_cast %select_n3A_180 : vector<16xi32> to vector<1x16xi32>
      tpu.vector_store %arg8[%swap3A_182, %swap3A_183], %swap3A_186 {strides = array<i32>} : memref<1x128xi32, #tpu.memory_space<vmem>>, vector<1x16xi32>,
      %add3A_187 = arith.constant 96 : i32
      %add3A_188 = arith.addi %min3A_49, %add3A_187 : i32
      %add3A_189 = vector.broadcast %add3A_188 : i32 to vector<16xi32>
      %add3A_190 = arith.addi %add3A_189, %iota3A : vector<16xi32>
      %get3A_191 = arith.constant 0 : i32
      %get3A_192 = arith.index_cast %get3A_191 : i32 to index
      %get3A_193 = arith.constant 96 : index
      %get3A_194 = tpu.vector_load %arg8[%get3A_192, %get3A_193] {strides = array<i32>} : memref<1x128xi32, #tpu.memory_space<vmem>>, vector<1x16xi32>,
      %get3A_195 = vector.shape_cast %get3A_194 : vector<1x16xi32> to vector<16xi32>
      %ge3A_196 = vector.broadcast %add3A_47 : i32 to vector<16xi32>
      %ge3A_197 = arith.cmpi sge, %add3A_190, %ge3A_196 : vector<16xi32>
      %lt3A_198 = vector.broadcast %add3A_33 : i32 to vector<16xi32>
      %lt3A_199 = arith.cmpi slt, %add3A_190, %lt3A_198 : vector<16xi32>
      %and3A_200 = arith.andi %ge3A_197, %lt3A_199 : vector<16xi1>
      %jit3A_201 = arith.constant 1024 : i32
      %broadcast_in_dim3A_202 = vector.broadcast %jit3A_201 : i32 to vector<16xi32>
      %select_n3A_203 = arith.select %and3A_200, %get3A_195, %broadcast_in_dim3A_202 : vector<16xi1>, vector<16xi32>
      %swap3A_204 = arith.constant 0 : i32
      %swap3A_205 = arith.index_cast %swap3A_204 : i32 to index
      %swap3A_206 = arith.constant 96 : index
      %swap3A_207 = tpu.vector_load %arg8[%swap3A_205, %swap3A_206] {strides = array<i32>} : memref<1x128xi32, #tpu.memory_space<vmem>>, vector<1x16xi32>,
      %swap3A_208 = vector.shape_cast %swap3A_207 : vector<1x16xi32> to vector<16xi32>
      %swap3A_209 = vector.shape_cast %select_n3A_203 : vector<16xi32> to vector<1x16xi32>
      tpu.vector_store %arg8[%swap3A_205, %swap3A_206], %swap3A_209 {strides = array<i32>} : memref<1x128xi32, #tpu.memory_space<vmem>>, vector<1x16xi32>,
      %add3A_210 = arith.constant 112 : i32
      %add3A_211 = arith.addi %min3A_49, %add3A_210 : i32
      %add3A_212 = vector.broadcast %add3A_211 : i32 to vector<16xi32>
      %add3A_213 = arith.addi %add3A_212, %iota3A : vector<16xi32>
      %get3A_214 = arith.constant 0 : i32
      %get3A_215 = arith.index_cast %get3A_214 : i32 to index
      %get3A_216 = arith.constant 112 : index
      %get3A_217 = tpu.vector_load %arg8[%get3A_215, %get3A_216] {strides = array<i32>} : memref<1x128xi32, #tpu.memory_space<vmem>>, vector<1x16xi32>,
      %get3A_218 = vector.shape_cast %get3A_217 : vector<1x16xi32> to vector<16xi32>
      %ge3A_219 = vector.broadcast %add3A_47 : i32 to vector<16xi32>
      %ge3A_220 = arith.cmpi sge, %add3A_213, %ge3A_219 : vector<16xi32>
      %lt3A_221 = vector.broadcast %add3A_33 : i32 to vector<16xi32>
      %lt3A_222 = arith.cmpi slt, %add3A_213, %lt3A_221 : vector<16xi32>
      %and3A_223 = arith.andi %ge3A_220, %lt3A_222 : vector<16xi1>
      %jit3A_224 = arith.constant 1024 : i32
      %broadcast_in_dim3A_225 = vector.broadcast %jit3A_224 : i32 to vector<16xi32>
      %select_n3A_226 = arith.select %and3A_223, %get3A_218, %broadcast_in_dim3A_225 : vector<16xi1>, vector<16xi32>
      %swap3A_227 = arith.constant 0 : i32
      %swap3A_228 = arith.index_cast %swap3A_227 : i32 to index
      %swap3A_229 = arith.constant 112 : index
      %swap3A_230 = tpu.vector_load %arg8[%swap3A_228, %swap3A_229] {strides = array<i32>} : memref<1x128xi32, #tpu.memory_space<vmem>>, vector<1x16xi32>,
      %swap3A_231 = vector.shape_cast %swap3A_230 : vector<1x16xi32> to vector<16xi32>
      %swap3A_232 = vector.shape_cast %select_n3A_226 : vector<16xi32> to vector<1x16xi32>
      tpu.vector_store %arg8[%swap3A_228, %swap3A_229], %swap3A_232 {strides = array<i32>} : memref<1x128xi32, #tpu.memory_space<vmem>>, vector<1x16xi32>,
      %run_scoped3A_233 = arith.constant 0 : i32
      "tpu.region"() ({
        %run_scoped3A_236 = tpu.sem_alloc : memref<!tpu.dma_semaphore, #tpu.memory_space<semaphore_mem>>
        %dma_start3A = arith.constant 0 : i32
        %dma_start3A_237 = tpu.memref_slice %arg8[%run_scoped3A_233, %dma_start3A] : memref<1x128xi32, #tpu.memory_space<vmem>> -> memref<1x128xi32, #tpu.memory_space<vmem>>
        %dma_start3A_238 = tpu.memref_squeeze %dma_start3A_237 : memref<1x128xi32, #tpu.memory_space<vmem>> -> memref<128xi32, #tpu.memory_space<vmem>>
        %dma_start3A_239 = arith.constant 0 : i32
        %dma_start3A_240 = arith.constant 0 : i32
        %dma_start3A_241 = tpu.memref_slice %arg11[%dma_start3A_239, %dma_start3A_240] : memref<1152x128xf32, #tpu.memory_space<vmem_shared>> -> memref<1152x128xf32, #tpu.memory_space<vmem_shared>>
        tpu.enqueue_indirect_dma source(%arg6 : memref<128x128xf32, #tpu.memory_space<vmem>>) target(%dma_start3A_241 : memref<1152x128xf32, #tpu.memory_space<vmem_shared>>) offsets(%dma_start3A_238 : memref<128xi32, #tpu.memory_space<vmem>>) semaphore(%run_scoped3A_236 : memref<!tpu.dma_semaphore, #tpu.memory_space<semaphore_mem>>) {add = true}
        %dma_wait3A = arith.constant 0 : i32
        %dma_wait3A_242 = tpu.memref_slice %arg8[%run_scoped3A_233, %dma_wait3A] : memref<1x128xi32, #tpu.memory_space<vmem>> -> memref<1x128xi32, #tpu.memory_space<vmem>>
        %dma_wait3A_243 = tpu.memref_squeeze %dma_wait3A_242 : memref<1x128xi32, #tpu.memory_space<vmem>> -> memref<128xi32, #tpu.memory_space<vmem>>
        %dma_wait3A_244 = arith.constant 0 : i32
        %dma_wait3A_245 = arith.constant 0 : i32
        %dma_wait3A_246 = tpu.memref_slice %arg11[%dma_wait3A_244, %dma_wait3A_245] : memref<1152x128xf32, #tpu.memory_space<vmem_shared>> -> memref<1152x128xf32, #tpu.memory_space<vmem_shared>>
        tpu.wait_indirect_dma semaphore(%run_scoped3A_236 : memref<!tpu.dma_semaphore, #tpu.memory_space<semaphore_mem>>) src(%arg6 : memref<128x128xf32, #tpu.memory_space<vmem>>) dst(%dma_wait3A_246 : memref<1152x128xf32, #tpu.memory_space<vmem_shared>>)
        tpu.yield
      }) : () -> ()
      %run_scoped3A_234 = arith.constant 0 : i32
      "tpu.region"() ({
        %run_scoped3A_236 = tpu.sem_alloc : memref<!tpu.dma_semaphore, #tpu.memory_space<semaphore_mem>>
        %dma_start3A = arith.constant 0 : i32
        %dma_start3A_237 = tpu.memref_slice %arg8[%run_scoped3A_234, %dma_start3A] : memref<1x128xi32, #tpu.memory_space<vmem>> -> memref<1x128xi32, #tpu.memory_space<vmem>>
        %dma_start3A_238 = tpu.memref_squeeze %dma_start3A_237 : memref<1x128xi32, #tpu.memory_space<vmem>> -> memref<128xi32, #tpu.memory_space<vmem>>
        %dma_start3A_239 = arith.constant 0 : i32
        %dma_start3A_240 = arith.constant 0 : i32
        %dma_start3A_241 = tpu.memref_slice %arg12[%dma_start3A_239, %dma_start3A_240] : memref<1152x128xf32, #tpu.memory_space<vmem_shared>> -> memref<1152x128xf32, #tpu.memory_space<vmem_shared>>
        tpu.enqueue_indirect_dma source(%arg7 : memref<128x128xf32, #tpu.memory_space<vmem>>) target(%dma_start3A_241 : memref<1152x128xf32, #tpu.memory_space<vmem_shared>>) offsets(%dma_start3A_238 : memref<128xi32, #tpu.memory_space<vmem>>) semaphore(%run_scoped3A_236 : memref<!tpu.dma_semaphore, #tpu.memory_space<semaphore_mem>>) {add = true}
        %dma_wait3A = arith.constant 0 : i32
        %dma_wait3A_242 = tpu.memref_slice %arg8[%run_scoped3A_234, %dma_wait3A] : memref<1x128xi32, #tpu.memory_space<vmem>> -> memref<1x128xi32, #tpu.memory_space<vmem>>
        %dma_wait3A_243 = tpu.memref_squeeze %dma_wait3A_242 : memref<1x128xi32, #tpu.memory_space<vmem>> -> memref<128xi32, #tpu.memory_space<vmem>>
        %dma_wait3A_244 = arith.constant 0 : i32
        %dma_wait3A_245 = arith.constant 0 : i32
        %dma_wait3A_246 = tpu.memref_slice %arg12[%dma_wait3A_244, %dma_wait3A_245] : memref<1152x128xf32, #tpu.memory_space<vmem_shared>> -> memref<1152x128xf32, #tpu.memory_space<vmem_shared>>
        tpu.wait_indirect_dma semaphore(%run_scoped3A_236 : memref<!tpu.dma_semaphore, #tpu.memory_space<semaphore_mem>>) src(%arg7 : memref<128x128xf32, #tpu.memory_space<vmem>>) dst(%dma_wait3A_246 : memref<1152x128xf32, #tpu.memory_space<vmem_shared>>)
        tpu.yield
      }) : () -> ()
      %run_scoped3A_235 = arith.constant 0 : i32
      "tpu.region"() ({
        %run_scoped3A_236 = tpu.sem_alloc : memref<!tpu.dma_semaphore, #tpu.memory_space<semaphore_mem>>
        %dma_start3A = arith.constant 0 : i32
        %dma_start3A_237 = tpu.memref_slice %arg8[%run_scoped3A_235, %dma_start3A] : memref<1x128xi32, #tpu.memory_space<vmem>> -> memref<1x128xi32, #tpu.memory_space<vmem>>
        %dma_start3A_238 = tpu.memref_squeeze %dma_start3A_237 : memref<1x128xi32, #tpu.memory_space<vmem>> -> memref<128xi32, #tpu.memory_space<vmem>>
        %dma_start3A_239 = arith.constant 0 : i32
        %dma_start3A_240 = arith.constant 0 : i32
        %dma_start3A_241 = tpu.memref_slice %arg13[%dma_start3A_239, %dma_start3A_240] : memref<1152x128xf32, #tpu.memory_space<vmem_shared>> -> memref<1152x128xf32, #tpu.memory_space<vmem_shared>>
        tpu.enqueue_indirect_dma source(%arg9 : memref<128x128xf32, #tpu.memory_space<vmem>>) target(%dma_start3A_241 : memref<1152x128xf32, #tpu.memory_space<vmem_shared>>) offsets(%dma_start3A_238 : memref<128xi32, #tpu.memory_space<vmem>>) semaphore(%run_scoped3A_236 : memref<!tpu.dma_semaphore, #tpu.memory_space<semaphore_mem>>) {add = true}
        %dma_wait3A = arith.constant 0 : i32
        %dma_wait3A_242 = tpu.memref_slice %arg8[%run_scoped3A_235, %dma_wait3A] : memref<1x128xi32, #tpu.memory_space<vmem>> -> memref<1x128xi32, #tpu.memory_space<vmem>>
        %dma_wait3A_243 = tpu.memref_squeeze %dma_wait3A_242 : memref<1x128xi32, #tpu.memory_space<vmem>> -> memref<128xi32, #tpu.memory_space<vmem>>
        %dma_wait3A_244 = arith.constant 0 : i32
        %dma_wait3A_245 = arith.constant 0 : i32
        %dma_wait3A_246 = tpu.memref_slice %arg13[%dma_wait3A_244, %dma_wait3A_245] : memref<1152x128xf32, #tpu.memory_space<vmem_shared>> -> memref<1152x128xf32, #tpu.memory_space<vmem_shared>>
        tpu.wait_indirect_dma semaphore(%run_scoped3A_236 : memref<!tpu.dma_semaphore, #tpu.memory_space<semaphore_mem>>) src(%arg9 : memref<128x128xf32, #tpu.memory_space<vmem>>) dst(%dma_wait3A_246 : memref<1152x128xf32, #tpu.memory_space<vmem_shared>>)
        tpu.yield
      }) : () -> ()
    }
    %scan3A_39 = arith.constant 25 : i32
    %barrier3A_40 = arith.constant 0 : index
    tpu.barrier barrier_id(%barrier3A_40)
    %mul3A_41 = arith.constant 64 : i32
    %mul3A_42 = arith.muli %arg1, %mul3A_41 : i32
    %run_scoped3A = arith.constant 0 : i32
    "tpu.region"() ({
      %run_scoped3A_44 = tpu.sem_alloc : memref<!tpu.dma_semaphore, #tpu.memory_space<semaphore_mem>>
      %dma_start3A = arith.constant 0 : i32
      %dma_start3A_45 = tpu.memref_slice %arg4[%arg0, %run_scoped3A, %mul3A_42, %dma_start3A] : memref<2x2x1024x128xf32, #tpu.memory_space<hbm>> -> memref<1x1x64x128xf32, #tpu.memory_space<hbm>>
      %dma_start3A_46 = tpu.memref_squeeze %dma_start3A_45 : memref<1x1x64x128xf32, #tpu.memory_space<hbm>> -> memref<64x128xf32, #tpu.memory_space<hbm>>
      %dma_start3A_47 = arith.constant 0 : i32
      %dma_start3A_48 = tpu.memref_slice %arg11[%mul3A_42, %dma_start3A_47] : memref<1152x128xf32, #tpu.memory_space<vmem_shared>> -> memref<64x128xf32, #tpu.memory_space<vmem_shared>>
      tpu.enqueue_dma source(%dma_start3A_48 : memref<64x128xf32, #tpu.memory_space<vmem_shared>>) target(%dma_start3A_46 : memref<64x128xf32, #tpu.memory_space<hbm>>) target_semaphore(%run_scoped3A_44 : memref<!tpu.dma_semaphore, #tpu.memory_space<semaphore_mem>>)
      %dma_wait3A = arith.constant 0 : i32
      %dma_wait3A_49 = tpu.memref_slice %arg4[%arg0, %run_scoped3A, %mul3A_42, %dma_wait3A] : memref<2x2x1024x128xf32, #tpu.memory_space<hbm>> -> memref<1x1x64x128xf32, #tpu.memory_space<hbm>>
      %dma_wait3A_50 = tpu.memref_squeeze %dma_wait3A_49 : memref<1x1x64x128xf32, #tpu.memory_space<hbm>> -> memref<64x128xf32, #tpu.memory_space<hbm>>
      %dma_wait3A_51 = arith.constant 0 : i32
      %dma_wait3A_52 = tpu.memref_slice %arg11[%mul3A_42, %dma_wait3A_51] : memref<1152x128xf32, #tpu.memory_space<vmem_shared>> -> memref<64x128xf32, #tpu.memory_space<vmem_shared>>
      tpu.wait_dma2 semaphore(%run_scoped3A_44 : memref<!tpu.dma_semaphore, #tpu.memory_space<semaphore_mem>>) src(%dma_wait3A_52 : memref<64x128xf32, #tpu.memory_space<vmem_shared>>) dst(%dma_wait3A_50 : memref<64x128xf32, #tpu.memory_space<hbm>>)
      tpu.yield
    }) : () -> ()
    %run_scoped3A_43 = arith.constant 1 : i32
    "tpu.region"() ({
      %run_scoped3A_44 = tpu.sem_alloc : memref<!tpu.dma_semaphore, #tpu.memory_space<semaphore_mem>>
      %dma_start3A = arith.constant 0 : i32
      %dma_start3A_45 = tpu.memref_slice %arg4[%arg0, %run_scoped3A_43, %mul3A_42, %dma_start3A] : memref<2x2x1024x128xf32, #tpu.memory_space<hbm>> -> memref<1x1x64x128xf32, #tpu.memory_space<hbm>>
      %dma_start3A_46 = tpu.memref_squeeze %dma_start3A_45 : memref<1x1x64x128xf32, #tpu.memory_space<hbm>> -> memref<64x128xf32, #tpu.memory_space<hbm>>
      %dma_start3A_47 = arith.constant 0 : i32
      %dma_start3A_48 = tpu.memref_slice %arg12[%mul3A_42, %dma_start3A_47] : memref<1152x128xf32, #tpu.memory_space<vmem_shared>> -> memref<64x128xf32, #tpu.memory_space<vmem_shared>>
      tpu.enqueue_dma source(%dma_start3A_48 : memref<64x128xf32, #tpu.memory_space<vmem_shared>>) target(%dma_start3A_46 : memref<64x128xf32, #tpu.memory_space<hbm>>) target_semaphore(%run_scoped3A_44 : memref<!tpu.dma_semaphore, #tpu.memory_space<semaphore_mem>>)
      %dma_wait3A = arith.constant 0 : i32
      %dma_wait3A_49 = tpu.memref_slice %arg4[%arg0, %run_scoped3A_43, %mul3A_42, %dma_wait3A] : memref<2x2x1024x128xf32, #tpu.memory_space<hbm>> -> memref<1x1x64x128xf32, #tpu.memory_space<hbm>>
      %dma_wait3A_50 = tpu.memref_squeeze %dma_wait3A_49 : memref<1x1x64x128xf32, #tpu.memory_space<hbm>> -> memref<64x128xf32, #tpu.memory_space<hbm>>
      %dma_wait3A_51 = arith.constant 0 : i32
      %dma_wait3A_52 = tpu.memref_slice %arg12[%mul3A_42, %dma_wait3A_51] : memref<1152x128xf32, #tpu.memory_space<vmem_shared>> -> memref<64x128xf32, #tpu.memory_space<vmem_shared>>
      tpu.wait_dma2 semaphore(%run_scoped3A_44 : memref<!tpu.dma_semaphore, #tpu.memory_space<semaphore_mem>>) src(%dma_wait3A_52 : memref<64x128xf32, #tpu.memory_space<vmem_shared>>) dst(%dma_wait3A_50 : memref<64x128xf32, #tpu.memory_space<hbm>>)
      tpu.yield
    }) : () -> ()
    "tpu.region"() ({
      %run_scoped3A_44 = tpu.sem_alloc : memref<!tpu.dma_semaphore, #tpu.memory_space<semaphore_mem>>
      %dma_start3A = arith.constant 0 : i32
      %dma_start3A_45 = tpu.memref_slice %arg5[%arg0, %mul3A_42, %dma_start3A] : memref<2x1024x128xf32, #tpu.memory_space<hbm>> -> memref<1x64x128xf32, #tpu.memory_space<hbm>>
      %dma_start3A_46 = tpu.memref_squeeze %dma_start3A_45 : memref<1x64x128xf32, #tpu.memory_space<hbm>> -> memref<64x128xf32, #tpu.memory_space<hbm>>
      %dma_start3A_47 = arith.constant 0 : i32
      %dma_start3A_48 = tpu.memref_slice %arg13[%mul3A_42, %dma_start3A_47] : memref<1152x128xf32, #tpu.memory_space<vmem_shared>> -> memref<64x128xf32, #tpu.memory_space<vmem_shared>>
      tpu.enqueue_dma source(%dma_start3A_48 : memref<64x128xf32, #tpu.memory_space<vmem_shared>>) target(%dma_start3A_46 : memref<64x128xf32, #tpu.memory_space<hbm>>) target_semaphore(%run_scoped3A_44 : memref<!tpu.dma_semaphore, #tpu.memory_space<semaphore_mem>>)
      %dma_wait3A = arith.constant 0 : i32
      %dma_wait3A_49 = tpu.memref_slice %arg5[%arg0, %mul3A_42, %dma_wait3A] : memref<2x1024x128xf32, #tpu.memory_space<hbm>> -> memref<1x64x128xf32, #tpu.memory_space<hbm>>
      %dma_wait3A_50 = tpu.memref_squeeze %dma_wait3A_49 : memref<1x64x128xf32, #tpu.memory_space<hbm>> -> memref<64x128xf32, #tpu.memory_space<hbm>>
      %dma_wait3A_51 = arith.constant 0 : i32
      %dma_wait3A_52 = tpu.memref_slice %arg13[%mul3A_42, %dma_wait3A_51] : memref<1152x128xf32, #tpu.memory_space<vmem_shared>> -> memref<64x128xf32, #tpu.memory_space<vmem_shared>>
      tpu.wait_dma2 semaphore(%run_scoped3A_44 : memref<!tpu.dma_semaphore, #tpu.memory_space<semaphore_mem>>) src(%dma_wait3A_52 : memref<64x128xf32, #tpu.memory_space<vmem_shared>>) dst(%dma_wait3A_50 : memref<64x128xf32, #tpu.memory_space<hbm>>)
      tpu.yield
    }) : () -> ()
    return
  }
}

module attributes {stable_mosaic.version = 14 : i64} {
  func.func @_mlp_body(%arg0: memref<2x2x1024x128xf32, #tpu.memory_space<vmem>>, %arg1: memref<2x1024x128xf32, #tpu.memory_space<vmem>>, %arg2: memref<256x512xf32, #tpu.memory_space<vmem>>, %arg3: memref<1x512xf32, #tpu.memory_space<vmem>>, %arg4: memref<512x16xf32, #tpu.memory_space<vmem>>, %arg5: memref<1x16xf32, #tpu.memory_space<vmem>>, %arg6: memref<1024x16xf32, #tpu.memory_space<vmem>>) attributes {dimension_semantics = [], scalar_prefetch = 0 : i64, scratch_operands = 0 : i64, tpu.core_type = #tpu.core_type<tc>} {
    %get3A = arith.constant 0 : index
    %get3A_0 = arith.constant 0 : index
    %get3A_1 = arith.constant 0 : index
    %get3A_2 = arith.constant 0 : index
    %get3A_3 = vector.load %arg0[%get3A, %get3A_0, %get3A_1, %get3A_2] : memref<2x2x1024x128xf32, #tpu.memory_space<vmem>>, vector<2x2x1024x128xf32>
    %get3A_4 = arith.constant 0 : index
    %get3A_5 = arith.constant 0 : index
    %get3A_6 = arith.constant 0 : index
    %get3A_7 = vector.load %arg1[%get3A_4, %get3A_5, %get3A_6] : memref<2x1024x128xf32, #tpu.memory_space<vmem>>, vector<2x1024x128xf32>
    %slice3A = vector.extract_strided_slice %get3A_3 {offsets = [0, 0, 0, 0], sizes = [1, 1, 1024, 128], strides = [1, 1, 1, 1]} : vector<2x2x1024x128xf32> to vector<1x1x1024x128xf32>
    %squeeze3A = vector.shape_cast %slice3A : vector<1x1x1024x128xf32> to vector<1024x128xf32>
    %slice3A_8 = vector.extract_strided_slice %get3A_3 {offsets = [1, 0, 0, 0], sizes = [1, 1, 1024, 128], strides = [1, 1, 1, 1]} : vector<2x2x1024x128xf32> to vector<1x1x1024x128xf32>
    %squeeze3A_9 = vector.shape_cast %slice3A_8 : vector<1x1x1024x128xf32> to vector<1024x128xf32>
    %add3A = arith.addf %squeeze3A, %squeeze3A_9 : vector<1024x128xf32>
    %slice3A_10 = vector.extract_strided_slice %get3A_3 {offsets = [0, 1, 0, 0], sizes = [1, 1, 1024, 128], strides = [1, 1, 1, 1]} : vector<2x2x1024x128xf32> to vector<1x1x1024x128xf32>
    %squeeze3A_11 = vector.shape_cast %slice3A_10 : vector<1x1x1024x128xf32> to vector<1024x128xf32>
    %slice3A_12 = vector.extract_strided_slice %get3A_3 {offsets = [1, 1, 0, 0], sizes = [1, 1, 1024, 128], strides = [1, 1, 1, 1]} : vector<2x2x1024x128xf32> to vector<1x1x1024x128xf32>
    %squeeze3A_13 = vector.shape_cast %slice3A_12 : vector<1x1x1024x128xf32> to vector<1024x128xf32>
    %add3A_14 = arith.addf %squeeze3A_11, %squeeze3A_13 : vector<1024x128xf32>
    %concatenate3A = tpu.concatenate %add3A, %add3A_14 in 1 : vector<1024x128xf32>, vector<1024x128xf32> -> vector<1024x256xf32>
    %slice3A_15 = vector.extract_strided_slice %get3A_7 {offsets = [0, 0, 0], sizes = [1, 1024, 1], strides = [1, 1, 1]} : vector<2x1024x128xf32> to vector<1x1024x1xf32>
    %squeeze3A_16 = vector.shape_cast %slice3A_15 : vector<1x1024x1xf32> to vector<1024x1xf32>
    %slice3A_17 = vector.extract_strided_slice %get3A_7 {offsets = [1, 0, 0], sizes = [1, 1024, 1], strides = [1, 1, 1]} : vector<2x1024x128xf32> to vector<1x1024x1xf32>
    %squeeze3A_18 = vector.shape_cast %slice3A_17 : vector<1x1024x1xf32> to vector<1024x1xf32>
    %add3A_19 = arith.addf %squeeze3A_16, %squeeze3A_18 : vector<1024x1xf32>
    %max3A = arith.constant 1.000000e+00 : f32
    %max3A_20 = vector.broadcast %max3A : f32 to vector<1024x1xf32>
    %max3A_21 = arith.maximumf %add3A_19, %max3A_20 : vector<1024x1xf32>
    %div3A = vector.broadcast %max3A_21 : vector<1024x1xf32> to vector<1024x256xf32>
    %div3A_22 = arith.divf %concatenate3A, %div3A : vector<1024x256xf32>
    %get3A_23 = arith.constant 0 : index
    %get3A_24 = arith.constant 0 : index
    %get3A_25 = vector.load %arg2[%get3A_23, %get3A_24] : memref<256x512xf32, #tpu.memory_space<vmem>>, vector<256x512xf32>
    %dot_general3A = arith.constant dense<0.000000e+00> : vector<1024x512xf32>
    %dot_general3A_26 = tpu.matmul %div3A_22, %get3A_25, %dot_general3A {dimension_numbers = #tpu.dot_dimension_numbers<[1], [0], [0], [1], [0, 0, 1, 1], [], []>, transpose_lhs_hint = false} : vector<1024x256xf32>, vector<256x512xf32>, vector<1024x512xf32> -> vector<1024x512xf32>
    %get3A_27 = arith.constant 0 : index
    %get3A_28 = arith.constant 0 : index
    %get3A_29 = vector.load %arg3[%get3A_27, %get3A_28] : memref<1x512xf32, #tpu.memory_space<vmem>>, vector<1x512xf32>
    %add3A_30 = vector.broadcast %get3A_29 : vector<1x512xf32> to vector<1024x512xf32>
    %add3A_31 = arith.addf %dot_general3A_26, %add3A_30 : vector<1024x512xf32>
    %max3A_32 = arith.constant 0.000000e+00 : f32
    %max3A_33 = vector.broadcast %max3A_32 : f32 to vector<1024x512xf32>
    %max3A_34 = arith.maximumf %add3A_31, %max3A_33 : vector<1024x512xf32>
    %get3A_35 = arith.constant 0 : index
    %get3A_36 = arith.constant 0 : index
    %get3A_37 = vector.load %arg4[%get3A_35, %get3A_36] : memref<512x16xf32, #tpu.memory_space<vmem>>, vector<512x16xf32>
    %dot_general3A_38 = arith.constant dense<0.000000e+00> : vector<1024x16xf32>
    %dot_general3A_39 = tpu.matmul %max3A_34, %get3A_37, %dot_general3A_38 {dimension_numbers = #tpu.dot_dimension_numbers<[1], [0], [0], [1], [0, 0, 1, 1], [], []>, transpose_lhs_hint = false} : vector<1024x512xf32>, vector<512x16xf32>, vector<1024x16xf32> -> vector<1024x16xf32>
    %get3A_40 = arith.constant 0 : index
    %get3A_41 = arith.constant 0 : index
    %get3A_42 = vector.load %arg5[%get3A_40, %get3A_41] : memref<1x16xf32, #tpu.memory_space<vmem>>, vector<1x16xf32>
    %add3A_43 = vector.broadcast %get3A_42 : vector<1x16xf32> to vector<1024x16xf32>
    %add3A_44 = arith.addf %dot_general3A_39, %add3A_43 : vector<1024x16xf32>
    %swap3A = arith.constant 0 : index
    %swap3A_45 = arith.constant 0 : index
    %swap3A_46 = vector.load %arg6[%swap3A, %swap3A_45] : memref<1024x16xf32, #tpu.memory_space<vmem>>, vector<1024x16xf32>
    tpu.vector_store %arg6[%swap3A, %swap3A_45], %add3A_44 {strides = array<i32>} : memref<1024x16xf32, #tpu.memory_space<vmem>>, vector<1024x16xf32>,
    return
  }
}

</mosaic_0001>

<sc_bundles>
// kernel: kernel.4.cloned.1.call-start
scs
__scs_entry_jumppad:
0x0: {  	(pc) =	sbr.rel $0x88, $3  }
0x1: {  	(tag) =	ssettag $0x0;
	lr =	simm.s32 $0x1  }
0x2: {  	[smem:$0x3F9B] =	sst lr;
	_ =	strace $0xD0000000  }
0x3: {  	_ = 	snop  }
0x4: {  	_ = 	snop  }
0x5: {  	_ = 	snop  }
0x6: {  	_ = 	snop  }
0x7: {  	_ = 	snop  }
__scs_overlays_trampoline_lowered:
0x8: {  	[smem:$0x3FAA] =	sst s0  }
0x9: {  	[smem:$0x3FAB] =	sst s1  }
0xa: {  	[smem:$0x3FAC] =	sst s2  }
0xb: {  	[smem:$0x3FAD] =	sst s3  }
0xc: {  	[smem:$0x3FAE] =	sst s4  }
0xd: {  	[smem:$0x3FAF] =	sst s5  }
0xe: {  	[smem:$0x3FB0] =	sst s6  }
0xf: {  	[smem:$0x3FB1] =	sst s7  }
0x10: {  	[smem:$0x3FB2] =	sst s8  }
0x11: {  	[smem:$0x3FB3] =	sst s9;
	s0 =	simm.s32 @!p0 $0x0  }
0x12: {  	s1 =	sld [smem:$0x3F99];
	s0 =	simm.s32 @p0 $0x1  }
0x13: {  	[smem:$0x3FB4] =	sst s0;
	s0 =	simm.s32 @!p1 $0x0  }
0x14: {  	s2 =	sld [smem:$0x3F98];
	s0 =	simm.s32 @p1 $0x1  }
0x15: {  	[smem:$0x3FB5] =	sst s0;
	s0 =	simm.s32 @!p2 $0x0  }
0x16: {  	s3 =	sld [smem:$0x3FDB];
	s0 =	simm.s32 @p2 $0x1  }
0x17: {  	s4 =	simm.s32 $0x1BF5;
	[smem:$0x3FB7] =	sst s0  }
0x18: {  	s0 =	sld [smem:$0x3F9A];
	_ =	swait.ge [sflag:s4], $0x0  }
0x19: {  	s7 =	sld [smem:$0x3F9B]  }
0x1a: {  	s8 =	sadd.s32 $0xFFFFE003, lr  }
0x1b: {  	s9 =	sadd.s32 $0xFFFFFEF7, lr;
	s5 =	simm.s32 $0xFFFFFFFF;
	p2 =	slt.u32 s8, $0xFFFFF086  }
0x1c: {  	p1 =	slt.u32 s9, $0xF7A;
	s5 =	simm.s32 @!p2 $0x0  }
0x1d: {  	s5 =	simm.s32 @p1 $0x1;
	p0 =	seq.s32 s7, s2  }
0x1e: {  	s7 =	smul.u32 @!p0 $0xF7A, s2;
	p2 =	seq.s32 @!p0 s5, $0x0  }
0x1f: {  	s9 =	smul.u32 $0xF7A, s1;
	s8 =	simm.s32 @!p0 $0x1BF5;
	p2 =	por !p2, p0  }
0x20: {  	[sflag:s8] =	ssyncset.s32 @!p0 $0xFFFFF086;
	s6 =	sadd.s32 @!p0 s3, s7;
	s7 =	simm.s32 @!p0 $0x108  }
0x21: {  	s3 =	sadd.s32 s3, s9;
	s6 =	sadd.s32 @!p0 $0x88, s6;
	s7 =	simm.s32 @p2 $0x1082  }
0x22: {  	[simem:s7], [sflag:s8] =	dma.local @!p0 [hbm:s6], $0xF7A  }
0x23: {  	s9 =	sor.u32 $0xD0000000, s2;
	s6 =	simm.s32 $0x108;
	_ =	swait.ge @!p0 [sflag:s8], $0x0  }
0x24: {  	s3 =	sadd.s32 $0x88, s3;
	s6 =	simm.s32 @!p1 $0x1082;
	[sflag:s4] =	ssyncset.s32 $0xFFFFF086  }
0x25: {  	[simem:s6], [sflag:s4] =	dma.local [hbm:s3], $0xF7A  }
0x26: {  	[smem:$0x3F9B] =	sst s1;
	(tag) =	ssettag s2;
	_ =	strace s9  }
0x27: {  	s1 =	sld [smem:$0x3FAB]  }
0x28: {  	s2 =	sld [smem:$0x3FAC]  }
0x29: {  	s4 =	sld [smem:$0x3FAE]  }
0x2a: {  	p0 =	seq.s32 s5, $0x0;
	s5 =	sld [smem:$0x3FAF]  }
0x2b: {  	s6 =	sld [smem:$0x3FB0]  }
0x2c: {  	s7 =	sld [smem:$0x3FB1]  }
0x2d: {  	s3 =	simm.s32 $0x108;
	s8 =	sld [smem:$0x3FB2]  }
0x2e: {  	s3 =	simm.s32 @!p0 $0x1082;
	s9 =	sld [smem:$0x3FB3]  }
0x2f: {  	lr =	sadd.s32 s0, s3;
	s0 =	sld [smem:$0x3FAA]  }
0x30: {  	s3 =	sld [smem:$0x3FAD]  }
0x31: {  	[smem:$0x3FB6] =	sst s10  }
0x32: {  	s10 =	sld [smem:$0x3FB4];
	_ =	sdelay $0x3  }
0x33: {  	p0 =	seq.s32 s10, $0x1;
	s10 =	sld [smem:$0x3FB6];
	_ =	sdelay $0x3  }
0x34: {  	[smem:$0x3FB6] =	sst s10  }
0x35: {  	s10 =	sld [smem:$0x3FB5];
	_ =	sdelay $0x3  }
0x36: {  	p1 =	seq.s32 s10, $0x1;
	s10 =	sld [smem:$0x3FB6];
	_ =	sdelay $0x3  }
0x37: {  	[smem:$0x3FB6] =	sst s10  }
0x38: {  	s10 =	sld [smem:$0x3FB7]  }
0x39: {  	_ = 	snop;
	(pc) =	sbr.ind lr, $3  }
0x3a: {  	_ = 	snop  }
0x3b: {  	_ = 	snop  }
0x3c: {  	p2 =	seq.s32 s10, $0x1;
	s10 =	sld [smem:$0x3FB6]  }
0x3d: {  	_ =	shalt  }
0x3e: {  	_ =	shalt  }
0x3f: {  	_ =	shalt  }
0x40: {  	_ =	shalt  }
0x41: {  	_ =	shalt  }
0x42: {  	_ =	shalt  }
0x43: {  	_ =	shalt  }
0x44: {  	_ =	shalt  }
0x45: {  	_ =	shalt  }
0x46: {  	_ =	shalt  }
0x47: {  	_ =	shalt  }
0x48: {  	_ =	shalt  }
0x49: {  	_ =	shalt  }
0x4a: {  	_ =	shalt  }
0x4b: {  	_ =	shalt  }
0x4c: {  	_ =	shalt  }
0x4d: {  	_ =	shalt  }
0x4e: {  	_ =	shalt  }
0x4f: {  	_ =	shalt  }
0x50: {  	_ =	shalt  }
0x51: {  	_ =	shalt  }
0x52: {  	_ =	shalt  }
0x53: {  	_ =	shalt  }
0x54: {  	_ =	shalt  }
0x55: {  	_ =	shalt  }
0x56: {  	_ =	shalt  }
0x57: {  	_ =	shalt  }
0x58: {  	_ =	shalt  }
0x59: {  	_ =	shalt  }
0x5a: {  	_ =	shalt  }
0x5b: {  	_ =	shalt  }
0x5c: {  	_ =	shalt  }
0x5d: {  	_ =	shalt  }
0x5e: {  	_ =	shalt  }
0x5f: {  	_ =	shalt  }
0x60: {  	_ =	shalt  }
0x61: {  	_ =	shalt  }
0x62: {  	_ =	shalt  }
0x63: {  	_ =	shalt  }
0x64: {  	_ =	shalt  }
0x65: {  	_ =	shalt  }
0x66: {  	_ =	shalt  }
0x67: {  	_ =	shalt  }
0x68: {  	_ =	shalt  }
0x69: {  	_ =	shalt  }
0x6a: {  	_ =	shalt  }
0x6b: {  	_ =	shalt  }
0x6c: {  	_ =	shalt  }
0x6d: {  	_ =	shalt  }
0x6e: {  	_ =	shalt  }
0x6f: {  	_ =	shalt  }
0x70: {  	_ =	shalt  }
0x71: {  	_ =	shalt  }
0x72: {  	_ =	shalt  }
0x73: {  	_ =	shalt  }
0x74: {  	_ =	shalt  }
0x75: {  	_ =	shalt  }
0x76: {  	_ =	shalt  }
0x77: {  	_ =	shalt  }
0x78: {  	_ =	shalt  }
0x79: {  	_ =	shalt  }
0x7a: {  	_ =	shalt  }
0x7b: {  	_ =	shalt  }
0x7c: {  	_ =	shalt  }
0x7d: {  	_ =	shalt  }
0x7e: {  	_ =	shalt  }
0x7f: {  	_ =	shalt  }
0x80: {  	_ =	shalt  }
0x81: {  	_ =	shalt  }
0x82: {  	_ =	shalt  }
0x83: {  	_ =	shalt  }
0x84: {  	_ =	shalt  }
0x85: {  	_ =	shalt  }
0x86: {  	_ =	shalt  }
0x87: {  	_ =	shalt  }
.Lfunc_end0:
.L_simem_size_0:
called_computation_lowered:
.L_overlay_start_0:
0x88: {  	s2 =	sld [smem:$0x3FD9]  }
0x89: {  	s3 =	sld [smem:$0x3FFE];
	_ =	sdelay $0x1  }
0x8a: {  	s1 =	srdreg.scid  }
0x8b: {  	s0 =	sand.u32 $0x1, s1  }
0x8c: {  	s17 =	sshll.u32 s0, $0xA;
	s2 =	sadd.s32 s3, s2  }
0x8d: {  	s2 =	sadd.s32 s2, s17  }
0x8e: {  	[smem:$0x3FC2] =	sst s2  }
0x8f: {  	_ = 	snop  }
0x90: {  	s2 =	sld [smem:$0x3FC8];
	(tm) =	ssettm $0x1  }
0x91: {  	s18 =	sld [smem:$0x3FFB];
	_ =	sdelay $0x3  }
0x92: {  	_ =	strace s18  }
0x93: {  	s3 =	sld [smem:$0x3FFC];
	_ =	sdelay $0x3  }
0x94: {  	_ =	strace s3  }
0x95: {  	s3 =	sld [smem:$0x3FFD];
	_ =	sdelay $0x3  }
0x96: {  	_ =	strace s3  }
0x97: {  	_ =	strace $0x8FFFFFFF  }
0x98: {  	s19 =	sld [smem:$0x3FDB];
	_ =	sdelay $0x1  }
0x99: {  	s4 =	simm.s32 $_scs_section_size  }
0x9a: {  	s5 =	simm.s32 $_size__tile_overlayer_lowered;
	s6 =	simm.s32 $_tile_overlayer_lowered  }
0x9b: {  	s22 =	simm.s32 $0x1BFF;
	s21 =	sshll.u32 s6, $0x1;
	s3 =	sadd.s32 s4, s19  }
0x9c: {  	s7 =	simm.s32 $0x0;
	s20 =	sshll.u32 s5, $0x1;
	s5 =	sadd.s32 s21, s3  }
0x9d: {  	[timem:s7], [sflag:s22] =	dma.local [hbm:s5], s20  }
0x9e: {  	_ =	swait.ge [sflag:s22], s20  }
0x9f: {  	s4 =	ssub.s32 $0x0, s20;
	[sflag:s22] =	ssyncset.done $0x0  }
0xa0: {  	[sflag:s22] =	ssyncadd.s32 s4;
	_ =	sdelay $0x1  }
0xa1: {  	s23 =	simm.s32 $0x1B8B  }
0xa2: {  	_ =	swait.ge [sflag:s23], $0x1  }
0xa3: {  	[sflag:s23] =	ssyncset.done $0x0  }
0xa4: {  	s25 =	simm.s32 $0x1B8E;
	s24 =	sld [smem:$0x3FFE];
	[sflag:s23] =	ssyncadd.s32 $0xFFFFFFFF  }
0xa5: {  	s26 =	simm.s32 $execute0_lowered;
	[smem:$0x3FD2] =	sst s25  }
0xa6: {  	s5 =	sshll.u32 s26, $0x1;
	_ =	strace $0x80000046;
	[dreg:$0x1] =	wrdreg $0xFFFFFFFF  }
0xa7: {  	s28 =	simm.s32 $_size_execute0_lowered;
	s3 =	sadd.s32 s3, s5;
	[dreg:$0x0] =	wrdreg $0x0  }
0xa8: {  	s5 =	sshll.u32 s28, $0x1;
	[dreg:$0x2] =	wrdreg s3  }
0xa9: {  	[dreg:$0x3] =	wrdreg s5  }
0xaa: {  	[dreg:$0x4] =	wrdreg $0xC0  }
0xab: {  	_ =	task [dreg:s7], $0x5FFFF  }
0xac: {  	[dreg:$0x1] =	wrdreg $0xFFFFFFFF  }
0xad: {  	[dreg:$0x0] =	wrdreg $0x60  }
0xae: {  	[dreg:$0x2] =	wrdreg s24  }
0xaf: {  	[dreg:$0x3] =	wrdreg s2  }
0xb0: {  	[dreg:$0x4] =	wrdreg $0xE4800  }
0xb1: {  	[dreg:$0x5] =	wrdreg $0x108800  }
0xb2: {  	[dreg:$0x6] =	wrdreg $0x12C800  }
0xb3: {  	[dreg:$0x7] =	wrdreg $0x9  }
0xb4: {  	_ =	task.clear_ibuf [dreg:s7], $0x8FFFF;
	_ =	strace $0x90000046  }
0xb5: {  	s29 =	simm.s32 $0x9;
	_ =	strace $0x80000048  }
0xb6: {  	_ =	swait.ge [sflag:s29], $0x1  }
0xb7: {  	[sflag:s29] =	ssyncadd.s32 $0xFFFFFFFF  }
0xb8: {  	_ =	strace $0x90000048  }
0xb9: {  	_ =	sfence  }
0xba: {  	s30 =	sld [smem:$0x0];
	_ =	sdelay $0x2  }
0xbb: {  	s31 =	sshll.u32 s1, $0xD;
	s1 =	sshrl.u32 s1, $0x2  }
0xbc: {  	s3 =	sand.u32 $0x4000, s31;
	s1 =	sadd.s32 s1, s30  }
0xbd: {  	s0 =	sor.u32 s3, s0;
	s1 =	sshll.u32 s1, $0x11  }
0xbe: {  	s0 =	sor.u32 s1, s0  }
0xbf: {  	s0 =	sadd.s32 $0x8F2B, s0  }
0xc0: {  	[sflag:s0] =	ssyncadd.remote.s32 $0x1  }
0xc1: {  	_ =	sfence.sel $0xFFFF  }
0xc2: {  	[dreg:$0x0] =	wrdreg $0xFFFFFFFF;
	(pc) =	sbr.abs _section_cstart, $3  }
0xc3: {  	[dreg:$0x1] =	wrdreg $0xFFFFFFFF  }
0xc4: {  	_ =	task.clear_ibuf [dreg:s7], $0x2FFFF;
	_ =	strace $0x9FFFFFFF  }
0xc5: {  	(tm) =	ssettm $0x7FFFFFFF  }
tec
execute0_lowered:
.L_overlay_start_1:
0x0: {  	(tag) =	ssettag $0x1  }
0x1: {  	s11 =	rddreg [dreg:$0x0]  }
0x2: {  	s1 =	rddreg [dreg:$0x1]  }
0x3: {  	s2 =	rddreg [dreg:$0x2]  }
0x4: {  	s3 =	rddreg [dreg:$0x3]  }
0x5: {  	s5 =	rddreg [dreg:$0x4]  }
0x6: {  	s7 =	srdreg.scid;
	s6 =	simm.s32 $0x0;
	s0 =	stileid.u32  }
0x7: {  	s28 =	simm.s32 $0x0;
	s14 =	sand.u32 $0x1, s7;
	[smem:$0x7FF] =	sst s6  }
0x8: {  	s15 =	sshll.u32 s0, $0xD;
	s22 =	sshll.u32 s0, $0x1;
	s24 =	smul.u32 $0x2400, s0  }
0x9: {  	p0 =	slt.u32 s0, $0x5;
	s29 =	smul.u32 $0x1860, s0;
	s7 =	sshll.u32 s14, $0x12  }
0xa: {  	_ =	strace $0x80000047;
	s9 =	sshll.u32 s14, $0x11;
	s10 =	ssub.s32 $0x2, s14  }
0xb: {  	s20 =	smul.u32 $0xC30, s14;
	s8 =	sor.u32 s15, s7;
	s7 =	sadd.s32 $0x1400, s11  }
0xc: {  	s21 =	sor.u32 s15, s9;
	s9 =	sor.u32 s14, s22;
	s23 =	sshrl.u32 s10, $0x1  }
0xd: {  	s4 =	sadd.s32 s24, s2;
	s25 =	sadd.s32 s24, s3;
	s26 =	sadd.s32 s24, s5  }
0xe: {  	s24 =	sadd.s32 s15, s3;
	s8 =	sshrl.u32 s8, $0x3;
	[dreg:$0x6] =	wrdreg s4  }
0xf: {  	s12 =	smul.u32 $0xC3, s9;
	s17 =	ssub.s32 s10, s23;
	[dreg:$0x7] =	wrdreg s25  }
0x10: {  	s18 =	smin.u32 s9, $0xA;
	[dreg:$0x8] =	wrdreg s26;
	s23 =	sadd.s32 s15, s2  }
0x11: {  	s25 =	sadd.s32 s15, s5;
	s30 =	sadd.s32 s20, s29;
	s20 =	simm.s32 $0x80  }
0x12: {  	s24 =	sshrl.u32 s24, $0x3;
	s26 =	simm.s32 $0x8080;
	s13 =	sadd.s32 s8, s11  }
0x13: {  	s8 =	sshrl.u32 s21, $0x3;
	s15 =	smax.u32 s17, $0x1;
	s31 =	sshll.u32 s18, $0x4  }
0x14: {  	s17 =	simm.s32 $0xC080;
	s21 =	simm.s32 $0x100;
	s23 =	sshrl.u32 s23, $0x3  }
0x15: {  	s25 =	sshrl.u32 s25, $0x3;
	s16 =	sadd.s32 s8, s11;
	s9 =	sadd.s32 s18, s12  }
0x16: {  	s12 =	simm.s32 $0xC40;
	s11 =	sadd.s32 $0x1410, s11;
	s18 =	simm.s32 $0x1  }
0x17: {  	s19 =	sshll.u32 s9, $0x4;
	s12 =	simm.s32 @!p0 $0xC30;
	s14 =	sadd.s32 $0x31E800, s16  }
0x18: {  	v1 =	vimm.f32 $0.0e+00;
	s16 =	sadd.s32 s31, s30;
	s22 =	sadd.s32 s12, s19;
	s12 =	sadd.s32 $0x30E800, s13  }
0x19: {  	v2 =	vimm.f32 $1.000000000e+00;
	v3 =	vlaneseq.u32;
	s13 =	sadd.s32 $0x312800, s13;
	s19 =	simm.s32 $0x8000;
	v0 =	vmov s22;
	s22 =	simm.s32 $0x4000  }
.LBB2_1:
0x1a: {  	s29 =	simm.s32 $0x0;
	s30 =	simm.s32 $0x200  }
.LBB2_2:
0x1b: {  	p0 =	sne.s32 s30, $0x8E00;
	[tilespmem:s29+$0xC0F0] =	vst v1  }
0x1c: {  	[tilespmem:s29+$0xC080] =	vst v1  }
0x1d: {  	[tilespmem:s29+$0xC090] =	vst v1  }
.Ltmp0:
0x1e: {  	[tilespmem:s29+$0xC0A0] =	vst v1;
	(pc) =	sbr.rel @p0 .LBB2_2-.Ltmp0, $4  }
0x1f: {  	[tilespmem:s29+$0xC0B0] =	vst v1  }
0x20: {  	[tilespmem:s29+$0xC0C0] =	vst v1  }
0x21: {  	[tilespmem:s29+$0xC0D0] =	vst v1  }
0x22: {  	[tilespmem:s29+$0xC0E0] =	vst v1;
	s29 =	sshra.s32 s30, $0x2;
	s30 =	sadd.s32 $0x200, s30  }
0x23: {  	[tilespmem:s29+$0xC0F0] =	vst v1  }
0x24: {  	[tilespmem:s29+$0xC080] =	vst v1  }
0x25: {  	[tilespmem:s29+$0xC090] =	vst v1  }
0x26: {  	[tilespmem:s29+$0xC0A0] =	vst v1  }
0x27: {  	[tilespmem:s29+$0xC0B0] =	vst v1  }
0x28: {  	[tilespmem:s29+$0xC0C0] =	vst v1  }
0x29: {  	[tilespmem:s29+$0xC0D0] =	vst v1  }
0x2a: {  	[tilespmem:s29+$0xC0E0] =	vst v1;
	s29 =	simm.s32 $0x0;
	s30 =	simm.s32 $0x200  }
.LBB2_4:
0x2b: {  	p0 =	sne.s32 s30, $0xFE00;
	[tilespmem:s29+$0x80F0] =	vst v2  }
0x2c: {  	[tilespmem:s29+$0x8080] =	vst v2  }
0x2d: {  	[tilespmem:s29+$0x8090] =	vst v2  }
.Ltmp1:
0x2e: {  	[tilespmem:s29+$0x80A0] =	vst v2;
	(pc) =	sbr.rel @p0 .LBB2_4-.Ltmp1, $4  }
0x2f: {  	[tilespmem:s29+$0x80B0] =	vst v2  }
0x30: {  	[tilespmem:s29+$0x80C0] =	vst v2  }
0x31: {  	[tilespmem:s29+$0x80D0] =	vst v2  }
0x32: {  	[tilespmem:s29+$0x80E0] =	vst v2;
	s29 =	sshra.s32 s30, $0x2;
	s30 =	sadd.s32 $0x200, s30  }
0x33: {  	[tilespmem:s29+$0x80F0] =	vst v2  }
0x34: {  	[tilespmem:s29+$0x8080] =	vst v2  }
0x35: {  	[tilespmem:s29+$0x8090] =	vst v2  }
0x36: {  	[tilespmem:s29+$0x80A0] =	vst v2  }
0x37: {  	[tilespmem:s29+$0x80B0] =	vst v2  }
0x38: {  	[tilespmem:s29+$0x80C0] =	vst v2  }
0x39: {  	[tilespmem:s29+$0x80D0] =	vst v2  }
0x3a: {  	[tilespmem:s29+$0x80E0] =	vst v2;
	s0 =	rddreg [dreg:$0x6]  }
0x3b: {  	[spmem:s0] =	stream.linear.scatter [tilespmem:s17], [sflag:$0x1], $0x2400, $0x38;
	[tilespmem:$0x15080] =	vst v63  }
0x3c: {  	_ =	swait.ge [sflag:s18], $0x2400  }
0x3d: {  	[sflag:s18] =	ssyncset.done $0x0  }
0x3e: {  	s8 =	rddreg [dreg:$0x7];
	[sflag:s18] =	ssyncadd.s32 $0xFFFFDC00  }
0x3f: {  	[spmem:s8] =	stream.linear.scatter [tilespmem:s17], [sflag:$0x1], $0x2400, $0x38;
	[tilespmem:$0x15080] =	vst v63  }
0x40: {  	_ =	swait.ge [sflag:s18], $0x2400  }
0x41: {  	[sflag:s18] =	ssyncset.done $0x0  }
0x42: {  	s29 =	sadd.s32 $0x0, s16;
	s9 =	rddreg [dreg:$0x8];
	[sflag:s18] =	ssyncadd.s32 $0xFFFFDC00  }
0x43: {  	[spmem:s9] =	stream.linear.scatter [tilespmem:s17], [sflag:$0x1], $0x2400, $0x38;
	[tilespmem:$0x15080] =	vst v63  }
0x44: {  	p0 =	slt.s32 s29, $0x18620;
	s30 =	smov.u32 s29;
	_ =	swait.ge [sflag:s18], $0x2400  }
0x45: {  	s30 =	simm.s32 @!p0 $0x18620;
	[sflag:s18] =	ssyncset.done $0x0  }
0x46: {  	s31 =	sshrl.u32 s30, $0x3;
	[sflag:s18] =	ssyncadd.s32 $0xFFFFDC00  }
0x47: {  	s31 =	sadd.s32 s1, s31;
	[bflag:$0x0] =	sbarrier.arrive $0xFFFF  }
0x48: {  	[tilespmem:s19], [sflag:$0x1] =	stream.linear.gather [hbm4b:s31+s6], $0x80, $0x38;
	[tilespmem:$0x15080] =	vst v63  }
0x49: {  	_ =	swait.ge [sflag:s18], $0x80  }
0x4a: {  	s10 =	sshll.u32 s30, $0x5;
	[sflag:s18] =	ssyncset.done $0x0  }
0x4b: {  	s4 =	sadd.s32 s7, s10;
	[sflag:s18] =	ssyncadd.s32 $0xFFFFFF80  }
0x4c: {  	[tilespmem:s6], [sflag:$0x1] =	stream.strided.gather [hbm4b:s4+s20], $0x4000, s21, s20, $0x38;
	[tilespmem:$0x15080] =	vst v63  }
0x4d: {  	_ =	swait.ge [sflag:s18], $0x4000  }
0x4e: {  	[sflag:s18] =	ssyncset.done $0x0  }
0x4f: {  	s8 =	sadd.s32 s10, s11;
	[sflag:s18] =	ssyncadd.s32 $0xFFFFC000  }
0x50: {  	[tilespmem:s22], [sflag:$0x1] =	stream.strided.gather [hbm4b:s8+s20], $0x4000, s21, s20, $0x38;
	[tilespmem:$0x15080] =	vst v63  }
0x51: {  	s9 =	sadd.s32 $0x70, s30;
	_ =	swait.ge [sflag:s18], $0x4000  }
0x52: {  	s10 =	sadd.s32 $0x30, s30;
	v4 =	vor.u32 s9, v3;
	[sflag:s18] =	ssyncset.done $0x0  }
0x53: {  	vm0 =	vge.u32 v4, s29;
	vm1 =	vlt.u32 v4, v0;
	v4 =	vor.u32 s10, v3;
	s10 =	sadd.s32 $0x20, s30;
	[sflag:s18] =	ssyncadd.s32 $0xFFFFC000  }
0x54: {  	vm0 =	vmand vm0, vm1;
	vm13 =	vge.u32 v4, s29;
	v9 =	vor.u32 s10, v3;
	v6 =	vld [tilespmem:$0x8070]  }
0x55: {  	vm2 =	vlt.u32 v4, v0;
	vm5 =	vge.u32 v9, s29;
	vm6 =	vlt.u32 v9, v0;
	s31 =	sadd.s32 $0x40, s30;
	v4 =	vld [tilespmem:$0x8030]  }
0x56: {  	vm1 =	vmand vm13, vm2;
	vm5 =	vmand vm5, vm6;
	v62 =	vor.u32 s31, v3;
	s4 =	sadd.s32 $0x50, s30;
	v7 =	vld [tilespmem:$0x8050]  }
0x57: {  	vm12 =	vge.u32 v62, s29;
	vm13 =	vlt.u32 v62, v0;
	v5 =	vor.u32 s4, v3;
	v8 =	vld [tilespmem:$0x8060]  }
0x58: {  	vm2 =	vmand vm12, vm13;
	vm3 =	vge.u32 v5, s29;
	vm4 =	vlt.u32 v5, v0;
	s8 =	sadd.s32 $0x60, s30;
	v10 =	vld [tilespmem:$0x8020]  }
0x59: {  	vm14 =	vmand vm3, vm4;
	v5 =	vor.u32 s8, v3;
	v60 =	vld [tilespmem:$0x8010];
	v6 =	vnsel vm0, $0x400, v6  }
0x5a: {  	s9 =	sadd.s32 $0x10, s30;
	vm15 =	vge.u32 v5, s29;
	vm8 =	vlt.u32 v5, v0;
	v61 =	vld [tilespmem:$0x8040];
	v4 =	vnsel vm1, $0x400, v4;
	[tilespmem:$0x8070] =	vst v6  }
0x5b: {  	v5 =	vor.u32 s9, v3;
	vm3 =	vmand vm15, vm8;
	v7 =	vnsel vm14, $0x400, v7;
	[tilespmem:$0x8030] =	vst v4;
	v4 =	vld [tilespmem:$0x8000]  }
0x5c: {  	vm9 =	vge.u32 v5, s29;
	vm10 =	vlt.u32 v5, v0;
	v8 =	vnsel vm3, $0x400, v8;
	[tilespmem:$0x8050] =	vst v7  }
0x5d: {  	v5 =	vor.u32 s30, v3;
	vm0 =	vmand vm9, vm10;
	v63 =	vnsel vm5, $0x400, v10;
	[tilespmem:$0x8060] =	vst v8  }
0x5e: {  	vm11 =	vge.u32 v5, s29;
	vm14 =	vlt.u32 v5, v0;
	v5 =	vnsel vm0, $0x400, v60;
	[tilespmem:$0x8020] =	vst v63  }
0x5f: {  	vm15 =	vmand vm11, vm14;
	[tilespmem:$0x8010] =	vst v5;
	v5 =	vnsel vm2, $0x400, v61  }
0x60: {  	[tilespmem:$0x8040] =	vst v5;
	v4 =	vnsel vm15, $0x400, v4  }
0x61: {  	[tilespmem:$0x8000] =	vst v4  }
0x62: {  	[spmem:s2] =	stream.indirect.scatter.add.f32 [tilespmem:s6], [sflag:$0x1], $0x80, s19, s20, $0xb8;
	[tilespmem:$0x15080] =	vst v63  }
0x63: {  	_ =	swait.ge [sflag:s18], $0x4000  }
0x64: {  	[sflag:s18] =	ssyncset.done $0x0  }
0x65: {  	s29 =	simm.s32 $0x80;
	[sflag:s18] =	ssyncadd.s32 $0xFFFFC000  }
.LBB2_6:
0x66: {  	[spmem:s3] =	stream.indirect.scatter.add.f32 [tilespmem:s22], [sflag:$0x1], $0x80, s19, s20, $0xb8;
	[tilespmem:$0x15080] =	vst v63  }
0x67: {  	s0 =	smov.u32 s29  }
0x68: {  	p0 =	sne.s32 s29, $0xC00;
	s29 =	sadd.s32 $0x80, s29;
	_ =	swait.ge [sflag:s18], $0x4000  }
0x69: {  	s30 =	sadd.s32 s0, s16;
	[sflag:s18] =	ssyncset.done $0x0  }
0x6a: {  	p1 =	slt.s32 s30, $0x18620;
	s0 =	smov.u32 s30;
	[sflag:s18] =	ssyncadd.s32 $0xFFFFC000  }
0x6b: {  	[spmem:s5] =	stream.indirect.scatter.add.f32 [tilespmem:s26], [sflag:$0x1], $0x80, s19, s20, $0xb8;
	[tilespmem:$0x15080] =	vst v63  }
0x6c: {  	s0 =	simm.s32 @!p1 $0x18620;
	_ =	swait.ge [sflag:s18], $0x4000  }
0x6d: {  	s31 =	sshrl.u32 s0, $0x3;
	s4 =	sshll.u32 s0, $0x5;
	v4 =	vor.u32 s0, v3;
	[sflag:s18] =	ssyncset.done $0x0  }
0x6e: {  	s8 =	sadd.s32 $0x70, s0;
	s31 =	sadd.s32 s1, s31;
	vm0 =	vge.u32 v4, s30;
	vm1 =	vlt.u32 v4, v0;
	[sflag:s18] =	ssyncadd.s32 $0xFFFFC000  }
0x6f: {  	v4 =	vor.u32 s8, v3;
	vm0 =	vmand vm0, vm1;
	[tilespmem:s19], [sflag:$0x1] =	stream.linear.gather [hbm4b:s31+s6], $0x80, $0x38;
	[tilespmem:$0x15080] =	vst v63  }
0x70: {  	s8 =	sadd.s32 $0x30, s0;
	vm1 =	vge.u32 v4, s30;
	vm2 =	vlt.u32 v4, v0;
	s31 =	sadd.s32 $0x50, s0;
	_ =	swait.ge [sflag:s18], $0x80  }
0x71: {  	s9 =	sadd.s32 $0x20, s0;
	v4 =	vor.u32 s8, v3;
	s8 =	sadd.s32 $0x60, s0;
	vm1 =	vmand vm1, vm2;
	v5 =	vor.u32 s31, v3;
	[sflag:s18] =	ssyncset.done $0x0  }
0x72: {  	s10 =	sadd.s32 $0x10, s0;
	vm2 =	vge.u32 v4, s30;
	vm3 =	vlt.u32 v4, v0;
	s31 =	sadd.s32 s7, s4;
	vm4 =	vge.u32 v5, s30;
	[sflag:s18] =	ssyncadd.s32 $0xFFFFFF80  }
0x73: {  	v4 =	vor.u32 s8, v3;
	vm2 =	vmand vm2, vm3;
	vm3 =	vlt.u32 v5, v0;
	[tilespmem:s6], [sflag:$0x1] =	stream.strided.gather [hbm4b:s31+s20], $0x4000, s21, s20, $0x38;
	[tilespmem:$0x15080] =	vst v63  }
0x74: {  	s0 =	sadd.s32 $0x40, s0;
	vm5 =	vlt.u32 v4, v0;
	vm3 =	vmand vm4, vm3;
	vm4 =	vge.u32 v4, s30;
	_ =	swait.ge [sflag:s18], $0x4000  }
0x75: {  	v5 =	vor.u32 s9, v3;
	v4 =	vor.u32 s10, v3;
	vm4 =	vmand vm4, vm5;
	[sflag:s18] =	ssyncset.done $0x0  }
0x76: {  	s4 =	sadd.s32 s4, s11;
	vm7 =	vlt.u32 v5, v0;
	vm6 =	vge.u32 v4, s30;
	vm5 =	vge.u32 v5, s30;
	[sflag:s18] =	ssyncadd.s32 $0xFFFFC000  }
0x77: {  	vm8 =	vlt.u32 v4, v0;
	v4 =	vor.u32 s0, v3;
	vm5 =	vmand vm5, vm7;
	[tilespmem:s22], [sflag:$0x1] =	stream.strided.gather [hbm4b:s4+s20], $0x4000, s21, s20, $0x38;
	[tilespmem:$0x15080] =	vst v63  }
0x78: {  	vm6 =	vmand vm6, vm8;
	vm7 =	vge.u32 v4, s30;
	vm8 =	vlt.u32 v4, v0;
	_ =	swait.ge [sflag:s18], $0x4000  }
0x79: {  	vm7 =	vmand vm7, vm8;
	[sflag:s18] =	ssyncset.done $0x0  }
0x7a: {  	[sflag:s18] =	ssyncadd.s32 $0xFFFFC000  }
0x7b: {  	v4 =	vld [tilespmem:$0x8070]  }
0x7c: {  	v5 =	vld [tilespmem:$0x8030]  }
0x7d: {  	v6 =	vld [tilespmem:$0x8050]  }
0x7e: {  	v7 =	vld [tilespmem:$0x8060]  }
0x7f: {  	v8 =	vld [tilespmem:$0x8020]  }
0x80: {  	v9 =	vld [tilespmem:$0x8010];
	v4 =	vnsel vm1, $0x400, v4  }
0x81: {  	v5 =	vnsel vm2, $0x400, v5;
	v10 =	vld [tilespmem:$0x8040];
	[tilespmem:$0x8070] =	vst v4  }
0x82: {  	v4 =	vld [tilespmem:$0x8000];
	[tilespmem:$0x8030] =	vst v5;
	v5 =	vnsel vm3, $0x400, v6  }
0x83: {  	[tilespmem:$0x8050] =	vst v5;
	v5 =	vnsel vm4, $0x400, v7  }
0x84: {  	v6 =	vnsel vm5, $0x400, v8;
	[tilespmem:$0x8060] =	vst v5  }
0x85: {  	v5 =	vnsel vm6, $0x400, v9;
	[tilespmem:$0x8020] =	vst v6  }
0x86: {  	[tilespmem:$0x8010] =	vst v5;
	v5 =	vnsel vm7, $0x400, v10  }
0x87: {  	v4 =	vnsel vm0, $0x400, v4;
	[tilespmem:$0x8040] =	vst v5  }
.Ltmp2:
0x88: {  	[tilespmem:$0x8000] =	vst v4;
	(pc) =	sbr.rel @p0 .LBB2_6-.Ltmp2, $4  }
0x89: {  	[spmem:s2] =	stream.indirect.scatter.add.f32 [tilespmem:s6], [sflag:$0x1], $0x80, s19, s20, $0xb8;
	[tilespmem:$0x15080] =	vst v63  }
0x8a: {  	_ =	swait.ge [sflag:s18], $0x4000  }
0x8b: {  	[sflag:s18] =	ssyncset.done $0x0  }
0x8c: {  	[sflag:s18] =	ssyncadd.s32 $0xFFFFC000  }
0x8d: {  	[spmem:s3] =	stream.indirect.scatter.add.f32 [tilespmem:s22], [sflag:$0x1], $0x80, s19, s20, $0xb8;
	[tilespmem:$0x15080] =	vst v63  }
0x8e: {  	_ =	swait.ge [sflag:s18], $0x4000  }
0x8f: {  	[sflag:s18] =	ssyncset.done $0x0  }
0x90: {  	[sflag:s18] =	ssyncadd.s32 $0xFFFFC000  }
0x91: {  	[spmem:s5] =	stream.indirect.scatter.add.f32 [tilespmem:s26], [sflag:$0x1], $0x80, s19, s20, $0xb8;
	[tilespmem:$0x15080] =	vst v63  }
0x92: {  	_ =	swait.ge [sflag:s18], $0x4000  }
0x93: {  	s0 =	stileid.u32;
	[sflag:s18] =	ssyncset.done $0x0  }
0x94: {  	s0 =	sshll.u32 s0, $0x6;
	[sflag:s18] =	ssyncadd.s32 $0xFFFFC000  }
0x95: {  	s0 =	sor.u32 $0x1C01, s0;
	[bflag:$0x0] =	sbarrier.arrive $0xFFFF  }
0x96: {  	[hbm:s12], [sflag:s0] =	dma.local [spmem:s23], $0x400  }
0x97: {  	_ =	swait.ge [sflag:s18], $0x400  }
0x98: {  	[sflag:s18] =	ssyncset.done $0x0  }
0x99: {  	[sflag:s18] =	ssyncadd.s32 $0xFFFFFC00  }
0x9a: {  	[hbm:s13], [sflag:s0] =	dma.local [spmem:s24], $0x400  }
0x9b: {  	s28 =	sadd.s32 $0x1, s28;
	_ =	swait.ge [sflag:s18], $0x400  }
0x9c: {  	p0 =	sne.s32 s28, s15;
	[sflag:s18] =	ssyncset.done $0x0  }
.Ltmp3:
0x9d: {  	[sflag:s18] =	ssyncadd.s32 $0xFFFFFC00;
	(pc) =	sbr.rel @p0 .LBB2_1-.Ltmp3, $4  }
0x9e: {  	[hbm:s14], [sflag:s0] =	dma.local [spmem:s25], $0x400  }
0x9f: {  	_ =	swait.ge [sflag:s18], $0x400  }
0xa0: {  	[sflag:s18] =	ssyncset.done $0x0  }
0xa1: {  	[sflag:s18] =	ssyncadd.s32 $0xFFFFFC00  }
0xa2: {  	_ =	sfence.sel $0x180000  }
0xa3: {  	[bflag:$0x0] =	sbarrier.arrive $0xFFFF  }
0xa4: {  	_ =	strace $0x90000047  }
0xa5: {  	s0 =	stileid.u32;
	[bflag:$0x2] =	sbarrier.arrive $0xFFFF  }
0xa6: {  	p0 =	sne.s32 s0, $0x0;
	s0 =	rddreg [dreg:$0x5]  }
0xa7: {  	s0 =	sadd.s32 @!p0 $0x100000, s0  }
0xa8: {  	[sflag:s0] =	ssyncadd.tile.s32 @!p0 $0x1;
	_ =	shalt  }
.Lfunc_end2:
_tile_overlayer_lowered:
.L_overlay_start_2:
0xa9: {  	(tag) =	ssettag $0x2  }
0xaa: {  	s0 =	rddreg [dreg:$0x0];
	s2 =	stileid.u32  }
0xab: {  	s1 =	rddreg [dreg:$0x1];
	p0 =	sne.s32 s2, $0x0  }
0xac: {  	s3 =	rddreg [dreg:$0x2];
	[bflag:$0x3] =	sbarrier.arrive $0xFFFF;
	s2 =	simm.s32 @!p0 $0x1C01  }
0xad: {  	[timem:s3], [sflag:s2] =	dma.local @!p0 [hbm:s0], s1  }
0xae: {  	s0 =	simm.s32 @!p0 $0x1  }
0xaf: {  	_ =	swait.ge @!p0 [sflag:s0], s1  }
0xb0: {  	s1 =	ssub.s32 @!p0 $0x0, s1;
	[sflag:s0] =	ssyncset.done @!p0 $0x0  }
0xb1: {  	[sflag:s0] =	ssyncadd.s32 @!p0 s1  }
0xb2: {  	[bflag:$0x3] =	sbarrier.arrive $0xFFFF  }
0xb3: {  	_ =	shalt  }

</sc_bundles>
